<compile_context>
chip_gen: v7x
topology: tpu7x:2x2x1
jax: 0.10.2.dev20260603
libtpu: 0.0.44.dev20260713+nightly
codegen_flags: <defaults>
</compile_context>

<pallas_src>
import functools

import jax
import jax.numpy as jnp
from jax import lax
from jax.experimental import pallas as pl
from jax.experimental.pallas import tpu as pltpu
from jax.experimental.pallas import tpu_sc as plsc

VOCAB = 101
DIM = 128
BATCH = 16384

_info = plsc.get_sparse_core_info()
_NC = _info.num_cores
_NS = _info.num_subcores
_NW = _NC * _NS
_BPW = BATCH // _NW


_NB = 8
_CH = _BPW // _NB


@functools.partial(
    pl.kernel,
    mesh=plsc.VectorSubcoreMesh(core_axis_name="c", subcore_axis_name="s"),
    out_type=jax.ShapeDtypeStruct((BATCH, DIM), jnp.float32),
    scratch_types=[
        pltpu.VMEM((_BPW,), jnp.int32),
        pltpu.VMEM_SHARED((VOCAB, DIM), jnp.float32),
        pltpu.VMEM((_BPW, DIM), jnp.float32),
        pltpu.SemaphoreType.DMA,
        pltpu.SemaphoreType.DMA((_NB,)),
        pltpu.SemaphoreType.DMA((_NB,)),
    ],
)
def _embed_gather(table_hbm, idx_hbm, out_hbm, idx_v, table_sh, rows_v,
                  isem, gsem, ssem):
    sid = lax.axis_index("s")
    wid = sid * _NC + lax.axis_index("c")
    base = wid * _BPW
    icp = pltpu.async_copy(idx_hbm.at[pl.ds(base, _BPW)], idx_v, isem)
    for k, (s, n) in enumerate(((0, 32), (32, 32), (64, 32), (96, VOCAB - 96))):
        @pl.when(sid == k)
        def _(s=s, n=n):
            pltpu.sync_copy(table_hbm.at[pl.ds(s, n)], table_sh.at[pl.ds(s, n)])

    plsc.subcore_barrier()
    icp.wait()
    gcps = [
        pltpu.async_copy(
            table_sh.at[idx_v.at[pl.ds(c * _CH, _CH)]],
            rows_v.at[pl.ds(c * _CH, _CH)],
            gsem.at[c],
        )
        for c in range(_NB)
    ]
    scps = []
    for c in range(_NB):
        gcps[c].wait()
        scps.append(
            pltpu.async_copy(
                rows_v.at[pl.ds(c * _CH, _CH)],
                out_hbm.at[pl.ds(base + c * _CH, _CH)],
                ssem.at[c],
            )
        )
    for scp in scps:
        scp.wait()


def kernel(batch_labels, embedding_table):
    idx = batch_labels.astype(jnp.int32)
    return _embed_gather(embedding_table, idx)

# --- scband reference (transcript-rebuilt; emitter-appended) ---
"""Pipeline reference for scband-one-hot-embedder-15169824490031 (READ-ONLY COPY).

The authoritative reference and input builder live on the scoring server;
editing this copy changes nothing except your own understanding.
"""

import jax, jax.numpy as jnp
import numpy as np

VOCAB = 101  # 100 sorted labels + EMPTY sentinel appended
DIM = 128
BATCH = 16384

def setup_inputs(seed: int = 0) -> dict:
    key = jax.random.key(seed)
    k1, k2 = jax.random.split(key)
    # nn.Embedding default init ~ N(0, 1)
    embedding_table = jax.random.normal(k1, (VOCAB, DIM), dtype=jnp.float32)
    # label_to_id maps each incoming string label to an int id in [0, VOCAB);
    # we model the post-mapping integer indices directly (strings are Python-side).
    batch_labels = jax.random.randint(k2, (BATCH,), 0, 100, dtype=jnp.int64)
    return {"batch_labels": batch_labels, "embedding_table": embedding_table}

def reference(batch_labels, embedding_table):
    # forward: label -> id (done in setup), then embedding gather
    return jnp.take(embedding_table, batch_labels, axis=0)

if __name__ == "__main__":
    import jax
    _d = setup_inputs()
    print(jax.jit(kernel)(*tuple(_d.values())))

</pallas_src>

<mosaic_0001>
#map = affine_map<(d0, d1) -> (0, 0)>
#map1 = affine_map<(d0, d1) -> (0)>
module attributes {stable_mosaic.version = 14 : i64} {
  func.func @_embed_gather(%arg0: i32, %arg1: i32, %arg2: memref<101x128xf32, #tpu.memory_space<hbm>>, %arg3: memref<16384xi32, #tpu.memory_space<hbm>>, %arg4: memref<16384x128xf32, #tpu.memory_space<hbm>>, %arg5: memref<512xi32, #tpu.memory_space<vmem>>, %arg6: memref<101x128xf32, #tpu.memory_space<vmem_shared>>, %arg7: memref<512x128xf32, #tpu.memory_space<vmem>>, %arg8: memref<!tpu.dma_semaphore, #tpu.memory_space<semaphore_mem>>, %arg9: memref<8x!tpu.dma_semaphore, #tpu.memory_space<semaphore_mem>>, %arg10: memref<8x!tpu.dma_semaphore, #tpu.memory_space<semaphore_mem>>) attributes {dimension_semantics = [#tpu.dimension_semantics<core_parallel>, #tpu.dimension_semantics<subcore_parallel>], iteration_bounds = array<i64: 2, 16>, scalar_prefetch = 0 : i64, scratch_operands = 6 : i64, tpu.core_type = #tpu.core_type<sc_vector_subcore>, window_params = [{transform_indices = #map}, {transform_indices = #map1}, {transform_indices = #map}]} {
    %mul3A = arith.constant 2 : i32
    %mul3A_0 = arith.muli %arg1, %mul3A : i32
    %add3A = arith.addi %mul3A_0, %arg0 : i32
    %mul3A_1 = arith.constant 512 : i32
    %mul3A_2 = arith.muli %add3A, %mul3A_1 : i32
    %dma_start3A = tpu.memref_slice %arg3[%mul3A_2] : memref<16384xi32, #tpu.memory_space<hbm>> -> memref<512xi32, #tpu.memory_space<hbm>>
    %dma_start3A_3 = tpu.memref_slice %arg3[%mul3A_2] : memref<16384xi32, #tpu.memory_space<hbm>> -> memref<512xi32, #tpu.memory_space<hbm>>
    tpu.enqueue_dma source(%dma_start3A_3 : memref<512xi32, #tpu.memory_space<hbm>>) target(%arg5 : memref<512xi32, #tpu.memory_space<vmem>>) target_semaphore(%arg8 : memref<!tpu.dma_semaphore, #tpu.memory_space<semaphore_mem>>)
    %eq3A = arith.constant 0 : i32
    %eq3A_4 = arith.cmpi eq, %arg1, %eq3A : i32
    %convert_element_type3A = arith.extui %eq3A_4 : i1 to i32
    %cond3A = arith.constant 0 : i32
    %cond3A_5 = arith.cmpi ne, %convert_element_type3A, %cond3A : i32
    scf.if %cond3A_5 {
      "tpu.region"() ({
        %run_scoped3A = tpu.sem_alloc : memref<!tpu.dma_semaphore, #tpu.memory_space<semaphore_mem>>
        %dma_start3A_422 = arith.constant 0 : i32
        %dma_start3A_423 = arith.constant 0 : i32
        %dma_start3A_424 = tpu.memref_slice %arg6[%dma_start3A_422, %dma_start3A_423] : memref<101x128xf32, #tpu.memory_space<vmem_shared>> -> memref<32x128xf32, #tpu.memory_space<vmem_shared>>
        %dma_start3A_425 = arith.constant 0 : i32
        %dma_start3A_426 = arith.constant 0 : i32
        %dma_start3A_427 = tpu.memref_slice %arg2[%dma_start3A_425, %dma_start3A_426] : memref<101x128xf32, #tpu.memory_space<hbm>> -> memref<32x128xf32, #tpu.memory_space<hbm>>
        tpu.enqueue_dma source(%dma_start3A_427 : memref<32x128xf32, #tpu.memory_space<hbm>>) target(%dma_start3A_424 : memref<32x128xf32, #tpu.memory_space<vmem_shared>>) target_semaphore(%run_scoped3A : memref<!tpu.dma_semaphore, #tpu.memory_space<semaphore_mem>>)
        %dma_wait3A_428 = arith.constant 0 : i32
        %dma_wait3A_429 = arith.constant 0 : i32
        %dma_wait3A_430 = tpu.memref_slice %arg6[%dma_wait3A_428, %dma_wait3A_429] : memref<101x128xf32, #tpu.memory_space<vmem_shared>> -> memref<32x128xf32, #tpu.memory_space<vmem_shared>>
        %dma_wait3A_431 = arith.constant 0 : i32
        %dma_wait3A_432 = arith.constant 0 : i32
        %dma_wait3A_433 = tpu.memref_slice %arg2[%dma_wait3A_431, %dma_wait3A_432] : memref<101x128xf32, #tpu.memory_space<hbm>> -> memref<32x128xf32, #tpu.memory_space<hbm>>
        tpu.wait_dma2 semaphore(%run_scoped3A : memref<!tpu.dma_semaphore, #tpu.memory_space<semaphore_mem>>) src(%dma_wait3A_433 : memref<32x128xf32, #tpu.memory_space<hbm>>) dst(%dma_wait3A_430 : memref<32x128xf32, #tpu.memory_space<vmem_shared>>)
        tpu.yield
      }) : () -> ()
    } else {
    }
    %eq3A_6 = arith.constant 1 : i32
    %eq3A_7 = arith.cmpi eq, %arg1, %eq3A_6 : i32
    %convert_element_type3A_8 = arith.extui %eq3A_7 : i1 to i32
    %cond3A_9 = arith.constant 0 : i32
    %cond3A_10 = arith.cmpi ne, %convert_element_type3A_8, %cond3A_9 : i32
    scf.if %cond3A_10 {
      "tpu.region"() ({
        %run_scoped3A = tpu.sem_alloc : memref<!tpu.dma_semaphore, #tpu.memory_space<semaphore_mem>>
        %dma_start3A_422 = arith.constant 32 : i32
        %dma_start3A_423 = arith.constant 0 : i32
        %dma_start3A_424 = tpu.memref_slice %arg6[%dma_start3A_422, %dma_start3A_423] : memref<101x128xf32, #tpu.memory_space<vmem_shared>> -> memref<32x128xf32, #tpu.memory_space<vmem_shared>>
        %dma_start3A_425 = arith.constant 32 : i32
        %dma_start3A_426 = arith.constant 0 : i32
        %dma_start3A_427 = tpu.memref_slice %arg2[%dma_start3A_425, %dma_start3A_426] : memref<101x128xf32, #tpu.memory_space<hbm>> -> memref<32x128xf32, #tpu.memory_space<hbm>>
        tpu.enqueue_dma source(%dma_start3A_427 : memref<32x128xf32, #tpu.memory_space<hbm>>) target(%dma_start3A_424 : memref<32x128xf32, #tpu.memory_space<vmem_shared>>) target_semaphore(%run_scoped3A : memref<!tpu.dma_semaphore, #tpu.memory_space<semaphore_mem>>)
        %dma_wait3A_428 = arith.constant 32 : i32
        %dma_wait3A_429 = arith.constant 0 : i32
        %dma_wait3A_430 = tpu.memref_slice %arg6[%dma_wait3A_428, %dma_wait3A_429] : memref<101x128xf32, #tpu.memory_space<vmem_shared>> -> memref<32x128xf32, #tpu.memory_space<vmem_shared>>
        %dma_wait3A_431 = arith.constant 32 : i32
        %dma_wait3A_432 = arith.constant 0 : i32
        %dma_wait3A_433 = tpu.memref_slice %arg2[%dma_wait3A_431, %dma_wait3A_432] : memref<101x128xf32, #tpu.memory_space<hbm>> -> memref<32x128xf32, #tpu.memory_space<hbm>>
        tpu.wait_dma2 semaphore(%run_scoped3A : memref<!tpu.dma_semaphore, #tpu.memory_space<semaphore_mem>>) src(%dma_wait3A_433 : memref<32x128xf32, #tpu.memory_space<hbm>>) dst(%dma_wait3A_430 : memref<32x128xf32, #tpu.memory_space<vmem_shared>>)
        tpu.yield
      }) : () -> ()
    } else {
    }
    %eq3A_11 = arith.constant 2 : i32
    %eq3A_12 = arith.cmpi eq, %arg1, %eq3A_11 : i32
    %convert_element_type3A_13 = arith.extui %eq3A_12 : i1 to i32
    %cond3A_14 = arith.constant 0 : i32
    %cond3A_15 = arith.cmpi ne, %convert_element_type3A_13, %cond3A_14 : i32
    scf.if %cond3A_15 {
      "tpu.region"() ({
        %run_scoped3A = tpu.sem_alloc : memref<!tpu.dma_semaphore, #tpu.memory_space<semaphore_mem>>
        %dma_start3A_422 = arith.constant 64 : i32
        %dma_start3A_423 = arith.constant 0 : i32
        %dma_start3A_424 = tpu.memref_slice %arg6[%dma_start3A_422, %dma_start3A_423] : memref<101x128xf32, #tpu.memory_space<vmem_shared>> -> memref<32x128xf32, #tpu.memory_space<vmem_shared>>
        %dma_start3A_425 = arith.constant 64 : i32
        %dma_start3A_426 = arith.constant 0 : i32
        %dma_start3A_427 = tpu.memref_slice %arg2[%dma_start3A_425, %dma_start3A_426] : memref<101x128xf32, #tpu.memory_space<hbm>> -> memref<32x128xf32, #tpu.memory_space<hbm>>
        tpu.enqueue_dma source(%dma_start3A_427 : memref<32x128xf32, #tpu.memory_space<hbm>>) target(%dma_start3A_424 : memref<32x128xf32, #tpu.memory_space<vmem_shared>>) target_semaphore(%run_scoped3A : memref<!tpu.dma_semaphore, #tpu.memory_space<semaphore_mem>>)
        %dma_wait3A_428 = arith.constant 64 : i32
        %dma_wait3A_429 = arith.constant 0 : i32
        %dma_wait3A_430 = tpu.memref_slice %arg6[%dma_wait3A_428, %dma_wait3A_429] : memref<101x128xf32, #tpu.memory_space<vmem_shared>> -> memref<32x128xf32, #tpu.memory_space<vmem_shared>>
        %dma_wait3A_431 = arith.constant 64 : i32
        %dma_wait3A_432 = arith.constant 0 : i32
        %dma_wait3A_433 = tpu.memref_slice %arg2[%dma_wait3A_431, %dma_wait3A_432] : memref<101x128xf32, #tpu.memory_space<hbm>> -> memref<32x128xf32, #tpu.memory_space<hbm>>
        tpu.wait_dma2 semaphore(%run_scoped3A : memref<!tpu.dma_semaphore, #tpu.memory_space<semaphore_mem>>) src(%dma_wait3A_433 : memref<32x128xf32, #tpu.memory_space<hbm>>) dst(%dma_wait3A_430 : memref<32x128xf32, #tpu.memory_space<vmem_shared>>)
        tpu.yield
      }) : () -> ()
    } else {
    }
    %eq3A_16 = arith.constant 3 : i32
    %eq3A_17 = arith.cmpi eq, %arg1, %eq3A_16 : i32
    %convert_element_type3A_18 = arith.extui %eq3A_17 : i1 to i32
    %cond3A_19 = arith.constant 0 : i32
    %cond3A_20 = arith.cmpi ne, %convert_element_type3A_18, %cond3A_19 : i32
    scf.if %cond3A_20 {
      "tpu.region"() ({
        %run_scoped3A = tpu.sem_alloc : memref<!tpu.dma_semaphore, #tpu.memory_space<semaphore_mem>>
        %dma_start3A_422 = arith.constant 96 : i32
        %dma_start3A_423 = arith.constant 0 : i32
        %dma_start3A_424 = tpu.memref_slice %arg6[%dma_start3A_422, %dma_start3A_423] : memref<101x128xf32, #tpu.memory_space<vmem_shared>> -> memref<5x128xf32, #tpu.memory_space<vmem_shared>>
        %dma_start3A_425 = arith.constant 96 : i32
        %dma_start3A_426 = arith.constant 0 : i32
        %dma_start3A_427 = tpu.memref_slice %arg2[%dma_start3A_425, %dma_start3A_426] : memref<101x128xf32, #tpu.memory_space<hbm>> -> memref<5x128xf32, #tpu.memory_space<hbm>>
        tpu.enqueue_dma source(%dma_start3A_427 : memref<5x128xf32, #tpu.memory_space<hbm>>) target(%dma_start3A_424 : memref<5x128xf32, #tpu.memory_space<vmem_shared>>) target_semaphore(%run_scoped3A : memref<!tpu.dma_semaphore, #tpu.memory_space<semaphore_mem>>)
        %dma_wait3A_428 = arith.constant 96 : i32
        %dma_wait3A_429 = arith.constant 0 : i32
        %dma_wait3A_430 = tpu.memref_slice %arg6[%dma_wait3A_428, %dma_wait3A_429] : memref<101x128xf32, #tpu.memory_space<vmem_shared>> -> memref<5x128xf32, #tpu.memory_space<vmem_shared>>
        %dma_wait3A_431 = arith.constant 96 : i32
        %dma_wait3A_432 = arith.constant 0 : i32
        %dma_wait3A_433 = tpu.memref_slice %arg2[%dma_wait3A_431, %dma_wait3A_432] : memref<101x128xf32, #tpu.memory_space<hbm>> -> memref<5x128xf32, #tpu.memory_space<hbm>>
        tpu.wait_dma2 semaphore(%run_scoped3A : memref<!tpu.dma_semaphore, #tpu.memory_space<semaphore_mem>>) src(%dma_wait3A_433 : memref<5x128xf32, #tpu.memory_space<hbm>>) dst(%dma_wait3A_430 : memref<5x128xf32, #tpu.memory_space<vmem_shared>>)
        tpu.yield
      }) : () -> ()
    } else {
    }
    %barrier3A = arith.constant 0 : index
    tpu.barrier barrier_id(%barrier3A)
    %dma_wait3A = tpu.memref_slice %arg3[%mul3A_2] : memref<16384xi32, #tpu.memory_space<hbm>> -> memref<512xi32, #tpu.memory_space<hbm>>
    %dma_wait3A_21 = tpu.memref_slice %arg3[%mul3A_2] : memref<16384xi32, #tpu.memory_space<hbm>> -> memref<512xi32, #tpu.memory_space<hbm>>
    tpu.wait_dma2 semaphore(%arg8 : memref<!tpu.dma_semaphore, #tpu.memory_space<semaphore_mem>>) src(%dma_wait3A_21 : memref<512xi32, #tpu.memory_space<hbm>>) dst(%arg5 : memref<512xi32, #tpu.memory_space<vmem>>)
    %dma_start3A_22 = arith.constant 0 : i32
    %dma_start3A_23 = arith.constant 0 : i32
    %dma_start3A_24 = arith.constant 0 : i32
    %dma_start3A_25 = tpu.memref_slice %arg7[%dma_start3A_23, %dma_start3A_24] : memref<512x128xf32, #tpu.memory_space<vmem>> -> memref<64x128xf32, #tpu.memory_space<vmem>>
    %dma_start3A_26 = arith.constant 0 : i32
    %dma_start3A_27 = tpu.memref_slice %arg5[%dma_start3A_26] : memref<512xi32, #tpu.memory_space<vmem>> -> memref<64xi32, #tpu.memory_space<vmem>>
    %dma_start3A_28 = arith.constant 0 : i32
    %dma_start3A_29 = arith.constant 0 : i32
    %dma_start3A_30 = tpu.memref_slice %arg6[%dma_start3A_28, %dma_start3A_29] : memref<101x128xf32, #tpu.memory_space<vmem_shared>> -> memref<101x128xf32, #tpu.memory_space<vmem_shared>>
    %dma_start3A_31 = tpu.memref_slice %arg9[%dma_start3A_22] : memref<8x!tpu.dma_semaphore, #tpu.memory_space<semaphore_mem>> -> memref<1x!tpu.dma_semaphore, #tpu.memory_space<semaphore_mem>>
    %dma_start3A_32 = tpu.memref_squeeze %dma_start3A_31 : memref<1x!tpu.dma_semaphore, #tpu.memory_space<semaphore_mem>> -> memref<!tpu.dma_semaphore, #tpu.memory_space<semaphore_mem>>
    tpu.enqueue_indirect_dma source(%dma_start3A_30 : memref<101x128xf32, #tpu.memory_space<vmem_shared>>) target(%dma_start3A_25 : memref<64x128xf32, #tpu.memory_space<vmem>>) offsets(%dma_start3A_27 : memref<64xi32, #tpu.memory_space<vmem>>) semaphore(%dma_start3A_32 : memref<!tpu.dma_semaphore, #tpu.memory_space<semaphore_mem>>)
    %dma_start3A_33 = arith.constant 1 : i32
    %dma_start3A_34 = arith.constant 64 : i32
    %dma_start3A_35 = arith.constant 0 : i32
    %dma_start3A_36 = tpu.memref_slice %arg7[%dma_start3A_34, %dma_start3A_35] : memref<512x128xf32, #tpu.memory_space<vmem>> -> memref<64x128xf32, #tpu.memory_space<vmem>>
    %dma_start3A_37 = arith.constant 64 : i32
    %dma_start3A_38 = tpu.memref_slice %arg5[%dma_start3A_37] : memref<512xi32, #tpu.memory_space<vmem>> -> memref<64xi32, #tpu.memory_space<vmem>>
    %dma_start3A_39 = arith.constant 0 : i32
    %dma_start3A_40 = arith.constant 0 : i32
    %dma_start3A_41 = tpu.memref_slice %arg6[%dma_start3A_39, %dma_start3A_40] : memref<101x128xf32, #tpu.memory_space<vmem_shared>> -> memref<101x128xf32, #tpu.memory_space<vmem_shared>>
    %dma_start3A_42 = tpu.memref_slice %arg9[%dma_start3A_33] : memref<8x!tpu.dma_semaphore, #tpu.memory_space<semaphore_mem>> -> memref<1x!tpu.dma_semaphore, #tpu.memory_space<semaphore_mem>>
    %dma_start3A_43 = tpu.memref_squeeze %dma_start3A_42 : memref<1x!tpu.dma_semaphore, #tpu.memory_space<semaphore_mem>> -> memref<!tpu.dma_semaphore, #tpu.memory_space<semaphore_mem>>
    tpu.enqueue_indirect_dma source(%dma_start3A_41 : memref<101x128xf32, #tpu.memory_space<vmem_shared>>) target(%dma_start3A_36 : memref<64x128xf32, #tpu.memory_space<vmem>>) offsets(%dma_start3A_38 : memref<64xi32, #tpu.memory_space<vmem>>) semaphore(%dma_start3A_43 : memref<!tpu.dma_semaphore, #tpu.memory_space<semaphore_mem>>)
    %dma_start3A_44 = arith.constant 2 : i32
    %dma_start3A_45 = arith.constant 128 : i32
    %dma_start3A_46 = arith.constant 0 : i32
    %dma_start3A_47 = tpu.memref_slice %arg7[%dma_start3A_45, %dma_start3A_46] : memref<512x128xf32, #tpu.memory_space<vmem>> -> memref<64x128xf32, #tpu.memory_space<vmem>>
    %dma_start3A_48 = arith.constant 128 : i32
    %dma_start3A_49 = tpu.memref_slice %arg5[%dma_start3A_48] : memref<512xi32, #tpu.memory_space<vmem>> -> memref<64xi32, #tpu.memory_space<vmem>>
    %dma_start3A_50 = arith.constant 0 : i32
    %dma_start3A_51 = arith.constant 0 : i32
    %dma_start3A_52 = tpu.memref_slice %arg6[%dma_start3A_50, %dma_start3A_51] : memref<101x128xf32, #tpu.memory_space<vmem_shared>> -> memref<101x128xf32, #tpu.memory_space<vmem_shared>>
    %dma_start3A_53 = tpu.memref_slice %arg9[%dma_start3A_44] : memref<8x!tpu.dma_semaphore, #tpu.memory_space<semaphore_mem>> -> memref<1x!tpu.dma_semaphore, #tpu.memory_space<semaphore_mem>>
    %dma_start3A_54 = tpu.memref_squeeze %dma_start3A_53 : memref<1x!tpu.dma_semaphore, #tpu.memory_space<semaphore_mem>> -> memref<!tpu.dma_semaphore, #tpu.memory_space<semaphore_mem>>
    tpu.enqueue_indirect_dma source(%dma_start3A_52 : memref<101x128xf32, #tpu.memory_space<vmem_shared>>) target(%dma_start3A_47 : memref<64x128xf32, #tpu.memory_space<vmem>>) offsets(%dma_start3A_49 : memref<64xi32, #tpu.memory_space<vmem>>) semaphore(%dma_start3A_54 : memref<!tpu.dma_semaphore, #tpu.memory_space<semaphore_mem>>)
    %dma_start3A_55 = arith.constant 3 : i32
    %dma_start3A_56 = arith.constant 192 : i32
    %dma_start3A_57 = arith.constant 0 : i32
    %dma_start3A_58 = tpu.memref_slice %arg7[%dma_start3A_56, %dma_start3A_57] : memref<512x128xf32, #tpu.memory_space<vmem>> -> memref<64x128xf32, #tpu.memory_space<vmem>>
    %dma_start3A_59 = arith.constant 192 : i32
    %dma_start3A_60 = tpu.memref_slice %arg5[%dma_start3A_59] : memref<512xi32, #tpu.memory_space<vmem>> -> memref<64xi32, #tpu.memory_space<vmem>>
    %dma_start3A_61 = arith.constant 0 : i32
    %dma_start3A_62 = arith.constant 0 : i32
    %dma_start3A_63 = tpu.memref_slice %arg6[%dma_start3A_61, %dma_start3A_62] : memref<101x128xf32, #tpu.memory_space<vmem_shared>> -> memref<101x128xf32, #tpu.memory_space<vmem_shared>>
    %dma_start3A_64 = tpu.memref_slice %arg9[%dma_start3A_55] : memref<8x!tpu.dma_semaphore, #tpu.memory_space<semaphore_mem>> -> memref<1x!tpu.dma_semaphore, #tpu.memory_space<semaphore_mem>>
    %dma_start3A_65 = tpu.memref_squeeze %dma_start3A_64 : memref<1x!tpu.dma_semaphore, #tpu.memory_space<semaphore_mem>> -> memref<!tpu.dma_semaphore, #tpu.memory_space<semaphore_mem>>
    tpu.enqueue_indirect_dma source(%dma_start3A_63 : memref<101x128xf32, #tpu.memory_space<vmem_shared>>) target(%dma_start3A_58 : memref<64x128xf32, #tpu.memory_space<vmem>>) offsets(%dma_start3A_60 : memref<64xi32, #tpu.memory_space<vmem>>) semaphore(%dma_start3A_65 : memref<!tpu.dma_semaphore, #tpu.memory_space<semaphore_mem>>)
    %dma_start3A_66 = arith.constant 4 : i32
    %dma_start3A_67 = arith.constant 256 : i32
    %dma_start3A_68 = arith.constant 0 : i32
    %dma_start3A_69 = tpu.memref_slice %arg7[%dma_start3A_67, %dma_start3A_68] : memref<512x128xf32, #tpu.memory_space<vmem>> -> memref<64x128xf32, #tpu.memory_space<vmem>>
    %dma_start3A_70 = arith.constant 256 : i32
    %dma_start3A_71 = tpu.memref_slice %arg5[%dma_start3A_70] : memref<512xi32, #tpu.memory_space<vmem>> -> memref<64xi32, #tpu.memory_space<vmem>>
    %dma_start3A_72 = arith.constant 0 : i32
    %dma_start3A_73 = arith.constant 0 : i32
    %dma_start3A_74 = tpu.memref_slice %arg6[%dma_start3A_72, %dma_start3A_73] : memref<101x128xf32, #tpu.memory_space<vmem_shared>> -> memref<101x128xf32, #tpu.memory_space<vmem_shared>>
    %dma_start3A_75 = tpu.memref_slice %arg9[%dma_start3A_66] : memref<8x!tpu.dma_semaphore, #tpu.memory_space<semaphore_mem>> -> memref<1x!tpu.dma_semaphore, #tpu.memory_space<semaphore_mem>>
    %dma_start3A_76 = tpu.memref_squeeze %dma_start3A_75 : memref<1x!tpu.dma_semaphore, #tpu.memory_space<semaphore_mem>> -> memref<!tpu.dma_semaphore, #tpu.memory_space<semaphore_mem>>
    tpu.enqueue_indirect_dma source(%dma_start3A_74 : memref<101x128xf32, #tpu.memory_space<vmem_shared>>) target(%dma_start3A_69 : memref<64x128xf32, #tpu.memory_space<vmem>>) offsets(%dma_start3A_71 : memref<64xi32, #tpu.memory_space<vmem>>) semaphore(%dma_start3A_76 : memref<!tpu.dma_semaphore, #tpu.memory_space<semaphore_mem>>)
    %dma_start3A_77 = arith.constant 5 : i32
    %dma_start3A_78 = arith.constant 320 : i32
    %dma_start3A_79 = arith.constant 0 : i32
    %dma_start3A_80 = tpu.memref_slice %arg7[%dma_start3A_78, %dma_start3A_79] : memref<512x128xf32, #tpu.memory_space<vmem>> -> memref<64x128xf32, #tpu.memory_space<vmem>>
    %dma_start3A_81 = arith.constant 320 : i32
    %dma_start3A_82 = tpu.memref_slice %arg5[%dma_start3A_81] : memref<512xi32, #tpu.memory_space<vmem>> -> memref<64xi32, #tpu.memory_space<vmem>>
    %dma_start3A_83 = arith.constant 0 : i32
    %dma_start3A_84 = arith.constant 0 : i32
    %dma_start3A_85 = tpu.memref_slice %arg6[%dma_start3A_83, %dma_start3A_84] : memref<101x128xf32, #tpu.memory_space<vmem_shared>> -> memref<101x128xf32, #tpu.memory_space<vmem_shared>>
    %dma_start3A_86 = tpu.memref_slice %arg9[%dma_start3A_77] : memref<8x!tpu.dma_semaphore, #tpu.memory_space<semaphore_mem>> -> memref<1x!tpu.dma_semaphore, #tpu.memory_space<semaphore_mem>>
    %dma_start3A_87 = tpu.memref_squeeze %dma_start3A_86 : memref<1x!tpu.dma_semaphore, #tpu.memory_space<semaphore_mem>> -> memref<!tpu.dma_semaphore, #tpu.memory_space<semaphore_mem>>
    tpu.enqueue_indirect_dma source(%dma_start3A_85 : memref<101x128xf32, #tpu.memory_space<vmem_shared>>) target(%dma_start3A_80 : memref<64x128xf32, #tpu.memory_space<vmem>>) offsets(%dma_start3A_82 : memref<64xi32, #tpu.memory_space<vmem>>) semaphore(%dma_start3A_87 : memref<!tpu.dma_semaphore, #tpu.memory_space<semaphore_mem>>)
    %dma_start3A_88 = arith.constant 6 : i32
    %dma_start3A_89 = arith.constant 384 : i32
    %dma_start3A_90 = arith.constant 0 : i32
    %dma_start3A_91 = tpu.memref_slice %arg7[%dma_start3A_89, %dma_start3A_90] : memref<512x128xf32, #tpu.memory_space<vmem>> -> memref<64x128xf32, #tpu.memory_space<vmem>>
    %dma_start3A_92 = arith.constant 384 : i32
    %dma_start3A_93 = tpu.memref_slice %arg5[%dma_start3A_92] : memref<512xi32, #tpu.memory_space<vmem>> -> memref<64xi32, #tpu.memory_space<vmem>>
    %dma_start3A_94 = arith.constant 0 : i32
    %dma_start3A_95 = arith.constant 0 : i32
    %dma_start3A_96 = tpu.memref_slice %arg6[%dma_start3A_94, %dma_start3A_95] : memref<101x128xf32, #tpu.memory_space<vmem_shared>> -> memref<101x128xf32, #tpu.memory_space<vmem_shared>>
    %dma_start3A_97 = tpu.memref_slice %arg9[%dma_start3A_88] : memref<8x!tpu.dma_semaphore, #tpu.memory_space<semaphore_mem>> -> memref<1x!tpu.dma_semaphore, #tpu.memory_space<semaphore_mem>>
    %dma_start3A_98 = tpu.memref_squeeze %dma_start3A_97 : memref<1x!tpu.dma_semaphore, #tpu.memory_space<semaphore_mem>> -> memref<!tpu.dma_semaphore, #tpu.memory_space<semaphore_mem>>
    tpu.enqueue_indirect_dma source(%dma_start3A_96 : memref<101x128xf32, #tpu.memory_space<vmem_shared>>) target(%dma_start3A_91 : memref<64x128xf32, #tpu.memory_space<vmem>>) offsets(%dma_start3A_93 : memref<64xi32, #tpu.memory_space<vmem>>) semaphore(%dma_start3A_98 : memref<!tpu.dma_semaphore, #tpu.memory_space<semaphore_mem>>)
    %dma_start3A_99 = arith.constant 7 : i32
    %dma_start3A_100 = arith.constant 448 : i32
    %dma_start3A_101 = arith.constant 0 : i32
    %dma_start3A_102 = tpu.memref_slice %arg7[%dma_start3A_100, %dma_start3A_101] : memref<512x128xf32, #tpu.memory_space<vmem>> -> memref<64x128xf32, #tpu.memory_space<vmem>>
    %dma_start3A_103 = arith.constant 448 : i32
    %dma_start3A_104 = tpu.memref_slice %arg5[%dma_start3A_103] : memref<512xi32, #tpu.memory_space<vmem>> -> memref<64xi32, #tpu.memory_space<vmem>>
    %dma_start3A_105 = arith.constant 0 : i32
    %dma_start3A_106 = arith.constant 0 : i32
    %dma_start3A_107 = tpu.memref_slice %arg6[%dma_start3A_105, %dma_start3A_106] : memref<101x128xf32, #tpu.memory_space<vmem_shared>> -> memref<101x128xf32, #tpu.memory_space<vmem_shared>>
    %dma_start3A_108 = tpu.memref_slice %arg9[%dma_start3A_99] : memref<8x!tpu.dma_semaphore, #tpu.memory_space<semaphore_mem>> -> memref<1x!tpu.dma_semaphore, #tpu.memory_space<semaphore_mem>>
    %dma_start3A_109 = tpu.memref_squeeze %dma_start3A_108 : memref<1x!tpu.dma_semaphore, #tpu.memory_space<semaphore_mem>> -> memref<!tpu.dma_semaphore, #tpu.memory_space<semaphore_mem>>
    tpu.enqueue_indirect_dma source(%dma_start3A_107 : memref<101x128xf32, #tpu.memory_space<vmem_shared>>) target(%dma_start3A_102 : memref<64x128xf32, #tpu.memory_space<vmem>>) offsets(%dma_start3A_104 : memref<64xi32, #tpu.memory_space<vmem>>) semaphore(%dma_start3A_109 : memref<!tpu.dma_semaphore, #tpu.memory_space<semaphore_mem>>)
    %dma_wait3A_110 = arith.constant 0 : i32
    %dma_wait3A_111 = arith.constant 0 : i32
    %dma_wait3A_112 = arith.constant 0 : i32
    %dma_wait3A_113 = tpu.memref_slice %arg7[%dma_wait3A_111, %dma_wait3A_112] : memref<512x128xf32, #tpu.memory_space<vmem>> -> memref<64x128xf32, #tpu.memory_space<vmem>>
    %dma_wait3A_114 = arith.constant 0 : i32
    %dma_wait3A_115 = tpu.memref_slice %arg5[%dma_wait3A_114] : memref<512xi32, #tpu.memory_space<vmem>> -> memref<64xi32, #tpu.memory_space<vmem>>
    %dma_wait3A_116 = arith.constant 0 : i32
    %dma_wait3A_117 = arith.constant 0 : i32
    %dma_wait3A_118 = tpu.memref_slice %arg6[%dma_wait3A_116, %dma_wait3A_117] : memref<101x128xf32, #tpu.memory_space<vmem_shared>> -> memref<101x128xf32, #tpu.memory_space<vmem_shared>>
    %dma_wait3A_119 = tpu.memref_slice %arg9[%dma_wait3A_110] : memref<8x!tpu.dma_semaphore, #tpu.memory_space<semaphore_mem>> -> memref<1x!tpu.dma_semaphore, #tpu.memory_space<semaphore_mem>>
    %dma_wait3A_120 = tpu.memref_squeeze %dma_wait3A_119 : memref<1x!tpu.dma_semaphore, #tpu.memory_space<semaphore_mem>> -> memref<!tpu.dma_semaphore, #tpu.memory_space<semaphore_mem>>
    tpu.wait_indirect_dma semaphore(%dma_wait3A_120 : memref<!tpu.dma_semaphore, #tpu.memory_space<semaphore_mem>>) src(%dma_wait3A_118 : memref<101x128xf32, #tpu.memory_space<vmem_shared>>) dst(%dma_wait3A_113 : memref<64x128xf32, #tpu.memory_space<vmem>>)
    %add3A_121 = arith.constant 0 : i32
    %add3A_122 = arith.addi %mul3A_2, %add3A_121 : i32
    %dma_start3A_123 = arith.constant 0 : i32
    %dma_start3A_124 = arith.constant 0 : i32
    %dma_start3A_125 = arith.constant 0 : i32
    %dma_start3A_126 = tpu.memref_slice %arg7[%dma_start3A_124, %dma_start3A_125] : memref<512x128xf32, #tpu.memory_space<vmem>> -> memref<64x128xf32, #tpu.memory_space<vmem>>
    %dma_start3A_127 = arith.constant 0 : i32
    %dma_start3A_128 = tpu.memref_slice %arg4[%add3A_122, %dma_start3A_127] : memref<16384x128xf32, #tpu.memory_space<hbm>> -> memref<64x128xf32, #tpu.memory_space<hbm>>
    %dma_start3A_129 = tpu.memref_slice %arg10[%dma_start3A_123] : memref<8x!tpu.dma_semaphore, #tpu.memory_space<semaphore_mem>> -> memref<1x!tpu.dma_semaphore, #tpu.memory_space<semaphore_mem>>
    %dma_start3A_130 = tpu.memref_squeeze %dma_start3A_129 : memref<1x!tpu.dma_semaphore, #tpu.memory_space<semaphore_mem>> -> memref<!tpu.dma_semaphore, #tpu.memory_space<semaphore_mem>>
    %dma_start3A_131 = arith.constant 0 : i32
    %dma_start3A_132 = tpu.memref_slice %arg4[%add3A_122, %dma_start3A_131] : memref<16384x128xf32, #tpu.memory_space<hbm>> -> memref<64x128xf32, #tpu.memory_space<hbm>>
    %dma_start3A_133 = arith.constant 0 : i32
    %dma_start3A_134 = arith.constant 0 : i32
    %dma_start3A_135 = tpu.memref_slice %arg7[%dma_start3A_133, %dma_start3A_134] : memref<512x128xf32, #tpu.memory_space<vmem>> -> memref<64x128xf32, #tpu.memory_space<vmem>>
    tpu.enqueue_dma source(%dma_start3A_135 : memref<64x128xf32, #tpu.memory_space<vmem>>) target(%dma_start3A_132 : memref<64x128xf32, #tpu.memory_space<hbm>>) target_semaphore(%dma_start3A_130 : memref<!tpu.dma_semaphore, #tpu.memory_space<semaphore_mem>>)
    %dma_wait3A_136 = arith.constant 1 : i32
    %dma_wait3A_137 = arith.constant 64 : i32
    %dma_wait3A_138 = arith.constant 0 : i32
    %dma_wait3A_139 = tpu.memref_slice %arg7[%dma_wait3A_137, %dma_wait3A_138] : memref<512x128xf32, #tpu.memory_space<vmem>> -> memref<64x128xf32, #tpu.memory_space<vmem>>
    %dma_wait3A_140 = arith.constant 64 : i32
    %dma_wait3A_141 = tpu.memref_slice %arg5[%dma_wait3A_140] : memref<512xi32, #tpu.memory_space<vmem>> -> memref<64xi32, #tpu.memory_space<vmem>>
    %dma_wait3A_142 = arith.constant 0 : i32
    %dma_wait3A_143 = arith.constant 0 : i32
    %dma_wait3A_144 = tpu.memref_slice %arg6[%dma_wait3A_142, %dma_wait3A_143] : memref<101x128xf32, #tpu.memory_space<vmem_shared>> -> memref<101x128xf32, #tpu.memory_space<vmem_shared>>
    %dma_wait3A_145 = tpu.memref_slice %arg9[%dma_wait3A_136] : memref<8x!tpu.dma_semaphore, #tpu.memory_space<semaphore_mem>> -> memref<1x!tpu.dma_semaphore, #tpu.memory_space<semaphore_mem>>
    %dma_wait3A_146 = tpu.memref_squeeze %dma_wait3A_145 : memref<1x!tpu.dma_semaphore, #tpu.memory_space<semaphore_mem>> -> memref<!tpu.dma_semaphore, #tpu.memory_space<semaphore_mem>>
    tpu.wait_indirect_dma semaphore(%dma_wait3A_146 : memref<!tpu.dma_semaphore, #tpu.memory_space<semaphore_mem>>) src(%dma_wait3A_144 : memref<101x128xf32, #tpu.memory_space<vmem_shared>>) dst(%dma_wait3A_139 : memref<64x128xf32, #tpu.memory_space<vmem>>)
    %add3A_147 = arith.constant 64 : i32
    %add3A_148 = arith.addi %mul3A_2, %add3A_147 : i32
    %dma_start3A_149 = arith.constant 1 : i32
    %dma_start3A_150 = arith.constant 64 : i32
    %dma_start3A_151 = arith.constant 0 : i32
    %dma_start3A_152 = tpu.memref_slice %arg7[%dma_start3A_150, %dma_start3A_151] : memref<512x128xf32, #tpu.memory_space<vmem>> -> memref<64x128xf32, #tpu.memory_space<vmem>>
    %dma_start3A_153 = arith.constant 0 : i32
    %dma_start3A_154 = tpu.memref_slice %arg4[%add3A_148, %dma_start3A_153] : memref<16384x128xf32, #tpu.memory_space<hbm>> -> memref<64x128xf32, #tpu.memory_space<hbm>>
    %dma_start3A_155 = tpu.memref_slice %arg10[%dma_start3A_149] : memref<8x!tpu.dma_semaphore, #tpu.memory_space<semaphore_mem>> -> memref<1x!tpu.dma_semaphore, #tpu.memory_space<semaphore_mem>>
    %dma_start3A_156 = tpu.memref_squeeze %dma_start3A_155 : memref<1x!tpu.dma_semaphore, #tpu.memory_space<semaphore_mem>> -> memref<!tpu.dma_semaphore, #tpu.memory_space<semaphore_mem>>
    %dma_start3A_157 = arith.constant 0 : i32
    %dma_start3A_158 = tpu.memref_slice %arg4[%add3A_148, %dma_start3A_157] : memref<16384x128xf32, #tpu.memory_space<hbm>> -> memref<64x128xf32, #tpu.memory_space<hbm>>
    %dma_start3A_159 = arith.constant 64 : i32
    %dma_start3A_160 = arith.constant 0 : i32
    %dma_start3A_161 = tpu.memref_slice %arg7[%dma_start3A_159, %dma_start3A_160] : memref<512x128xf32, #tpu.memory_space<vmem>> -> memref<64x128xf32, #tpu.memory_space<vmem>>
    tpu.enqueue_dma source(%dma_start3A_161 : memref<64x128xf32, #tpu.memory_space<vmem>>) target(%dma_start3A_158 : memref<64x128xf32, #tpu.memory_space<hbm>>) target_semaphore(%dma_start3A_156 : memref<!tpu.dma_semaphore, #tpu.memory_space<semaphore_mem>>)
    %dma_wait3A_162 = arith.constant 2 : i32
    %dma_wait3A_163 = arith.constant 128 : i32
    %dma_wait3A_164 = arith.constant 0 : i32
    %dma_wait3A_165 = tpu.memref_slice %arg7[%dma_wait3A_163, %dma_wait3A_164] : memref<512x128xf32, #tpu.memory_space<vmem>> -> memref<64x128xf32, #tpu.memory_space<vmem>>
    %dma_wait3A_166 = arith.constant 128 : i32
    %dma_wait3A_167 = tpu.memref_slice %arg5[%dma_wait3A_166] : memref<512xi32, #tpu.memory_space<vmem>> -> memref<64xi32, #tpu.memory_space<vmem>>
    %dma_wait3A_168 = arith.constant 0 : i32
    %dma_wait3A_169 = arith.constant 0 : i32
    %dma_wait3A_170 = tpu.memref_slice %arg6[%dma_wait3A_168, %dma_wait3A_169] : memref<101x128xf32, #tpu.memory_space<vmem_shared>> -> memref<101x128xf32, #tpu.memory_space<vmem_shared>>
    %dma_wait3A_171 = tpu.memref_slice %arg9[%dma_wait3A_162] : memref<8x!tpu.dma_semaphore, #tpu.memory_space<semaphore_mem>> -> memref<1x!tpu.dma_semaphore, #tpu.memory_space<semaphore_mem>>
    %dma_wait3A_172 = tpu.memref_squeeze %dma_wait3A_171 : memref<1x!tpu.dma_semaphore, #tpu.memory_space<semaphore_mem>> -> memref<!tpu.dma_semaphore, #tpu.memory_space<semaphore_mem>>
    tpu.wait_indirect_dma semaphore(%dma_wait3A_172 : memref<!tpu.dma_semaphore, #tpu.memory_space<semaphore_mem>>) src(%dma_wait3A_170 : memref<101x128xf32, #tpu.memory_space<vmem_shared>>) dst(%dma_wait3A_165 : memref<64x128xf32, #tpu.memory_space<vmem>>)
    %add3A_173 = arith.constant 128 : i32
    %add3A_174 = arith.addi %mul3A_2, %add3A_173 : i32
    %dma_start3A_175 = arith.constant 2 : i32
    %dma_start3A_176 = arith.constant 128 : i32
    %dma_start3A_177 = arith.constant 0 : i32
    %dma_start3A_178 = tpu.memref_slice %arg7[%dma_start3A_176, %dma_start3A_177] : memref<512x128xf32, #tpu.memory_space<vmem>> -> memref<64x128xf32, #tpu.memory_space<vmem>>
    %dma_start3A_179 = arith.constant 0 : i32
    %dma_start3A_180 = tpu.memref_slice %arg4[%add3A_174, %dma_start3A_179] : memref<16384x128xf32, #tpu.memory_space<hbm>> -> memref<64x128xf32, #tpu.memory_space<hbm>>
    %dma_start3A_181 = tpu.memref_slice %arg10[%dma_start3A_175] : memref<8x!tpu.dma_semaphore, #tpu.memory_space<semaphore_mem>> -> memref<1x!tpu.dma_semaphore, #tpu.memory_space<semaphore_mem>>
    %dma_start3A_182 = tpu.memref_squeeze %dma_start3A_181 : memref<1x!tpu.dma_semaphore, #tpu.memory_space<semaphore_mem>> -> memref<!tpu.dma_semaphore, #tpu.memory_space<semaphore_mem>>
    %dma_start3A_183 = arith.constant 0 : i32
    %dma_start3A_184 = tpu.memref_slice %arg4[%add3A_174, %dma_start3A_183] : memref<16384x128xf32, #tpu.memory_space<hbm>> -> memref<64x128xf32, #tpu.memory_space<hbm>>
    %dma_start3A_185 = arith.constant 128 : i32
    %dma_start3A_186 = arith.constant 0 : i32
    %dma_start3A_187 = tpu.memref_slice %arg7[%dma_start3A_185, %dma_start3A_186] : memref<512x128xf32, #tpu.memory_space<vmem>> -> memref<64x128xf32, #tpu.memory_space<vmem>>
    tpu.enqueue_dma source(%dma_start3A_187 : memref<64x128xf32, #tpu.memory_space<vmem>>) target(%dma_start3A_184 : memref<64x128xf32, #tpu.memory_space<hbm>>) target_semaphore(%dma_start3A_182 : memref<!tpu.dma_semaphore, #tpu.memory_space<semaphore_mem>>)
    %dma_wait3A_188 = arith.constant 3 : i32
    %dma_wait3A_189 = arith.constant 192 : i32
    %dma_wait3A_190 = arith.constant 0 : i32
    %dma_wait3A_191 = tpu.memref_slice %arg7[%dma_wait3A_189, %dma_wait3A_190] : memref<512x128xf32, #tpu.memory_space<vmem>> -> memref<64x128xf32, #tpu.memory_space<vmem>>
    %dma_wait3A_192 = arith.constant 192 : i32
    %dma_wait3A_193 = tpu.memref_slice %arg5[%dma_wait3A_192] : memref<512xi32, #tpu.memory_space<vmem>> -> memref<64xi32, #tpu.memory_space<vmem>>
    %dma_wait3A_194 = arith.constant 0 : i32
    %dma_wait3A_195 = arith.constant 0 : i32
    %dma_wait3A_196 = tpu.memref_slice %arg6[%dma_wait3A_194, %dma_wait3A_195] : memref<101x128xf32, #tpu.memory_space<vmem_shared>> -> memref<101x128xf32, #tpu.memory_space<vmem_shared>>
    %dma_wait3A_197 = tpu.memref_slice %arg9[%dma_wait3A_188] : memref<8x!tpu.dma_semaphore, #tpu.memory_space<semaphore_mem>> -> memref<1x!tpu.dma_semaphore, #tpu.memory_space<semaphore_mem>>
    %dma_wait3A_198 = tpu.memref_squeeze %dma_wait3A_197 : memref<1x!tpu.dma_semaphore, #tpu.memory_space<semaphore_mem>> -> memref<!tpu.dma_semaphore, #tpu.memory_space<semaphore_mem>>
    tpu.wait_indirect_dma semaphore(%dma_wait3A_198 : memref<!tpu.dma_semaphore, #tpu.memory_space<semaphore_mem>>) src(%dma_wait3A_196 : memref<101x128xf32, #tpu.memory_space<vmem_shared>>) dst(%dma_wait3A_191 : memref<64x128xf32, #tpu.memory_space<vmem>>)
    %add3A_199 = arith.constant 192 : i32
    %add3A_200 = arith.addi %mul3A_2, %add3A_199 : i32
    %dma_start3A_201 = arith.constant 3 : i32
    %dma_start3A_202 = arith.constant 192 : i32
    %dma_start3A_203 = arith.constant 0 : i32
    %dma_start3A_204 = tpu.memref_slice %arg7[%dma_start3A_202, %dma_start3A_203] : memref<512x128xf32, #tpu.memory_space<vmem>> -> memref<64x128xf32, #tpu.memory_space<vmem>>
    %dma_start3A_205 = arith.constant 0 : i32
    %dma_start3A_206 = tpu.memref_slice %arg4[%add3A_200, %dma_start3A_205] : memref<16384x128xf32, #tpu.memory_space<hbm>> -> memref<64x128xf32, #tpu.memory_space<hbm>>
    %dma_start3A_207 = tpu.memref_slice %arg10[%dma_start3A_201] : memref<8x!tpu.dma_semaphore, #tpu.memory_space<semaphore_mem>> -> memref<1x!tpu.dma_semaphore, #tpu.memory_space<semaphore_mem>>
    %dma_start3A_208 = tpu.memref_squeeze %dma_start3A_207 : memref<1x!tpu.dma_semaphore, #tpu.memory_space<semaphore_mem>> -> memref<!tpu.dma_semaphore, #tpu.memory_space<semaphore_mem>>
    %dma_start3A_209 = arith.constant 0 : i32
    %dma_start3A_210 = tpu.memref_slice %arg4[%add3A_200, %dma_start3A_209] : memref<16384x128xf32, #tpu.memory_space<hbm>> -> memref<64x128xf32, #tpu.memory_space<hbm>>
    %dma_start3A_211 = arith.constant 192 : i32
    %dma_start3A_212 = arith.constant 0 : i32
    %dma_start3A_213 = tpu.memref_slice %arg7[%dma_start3A_211, %dma_start3A_212] : memref<512x128xf32, #tpu.memory_space<vmem>> -> memref<64x128xf32, #tpu.memory_space<vmem>>
    tpu.enqueue_dma source(%dma_start3A_213 : memref<64x128xf32, #tpu.memory_space<vmem>>) target(%dma_start3A_210 : memref<64x128xf32, #tpu.memory_space<hbm>>) target_semaphore(%dma_start3A_208 : memref<!tpu.dma_semaphore, #tpu.memory_space<semaphore_mem>>)
    %dma_wait3A_214 = arith.constant 4 : i32
    %dma_wait3A_215 = arith.constant 256 : i32
    %dma_wait3A_216 = arith.constant 0 : i32
    %dma_wait3A_217 = tpu.memref_slice %arg7[%dma_wait3A_215, %dma_wait3A_216] : memref<512x128xf32, #tpu.memory_space<vmem>> -> memref<64x128xf32, #tpu.memory_space<vmem>>
    %dma_wait3A_218 = arith.constant 256 : i32
    %dma_wait3A_219 = tpu.memref_slice %arg5[%dma_wait3A_218] : memref<512xi32, #tpu.memory_space<vmem>> -> memref<64xi32, #tpu.memory_space<vmem>>
    %dma_wait3A_220 = arith.constant 0 : i32
    %dma_wait3A_221 = arith.constant 0 : i32
    %dma_wait3A_222 = tpu.memref_slice %arg6[%dma_wait3A_220, %dma_wait3A_221] : memref<101x128xf32, #tpu.memory_space<vmem_shared>> -> memref<101x128xf32, #tpu.memory_space<vmem_shared>>
    %dma_wait3A_223 = tpu.memref_slice %arg9[%dma_wait3A_214] : memref<8x!tpu.dma_semaphore, #tpu.memory_space<semaphore_mem>> -> memref<1x!tpu.dma_semaphore, #tpu.memory_space<semaphore_mem>>
    %dma_wait3A_224 = tpu.memref_squeeze %dma_wait3A_223 : memref<1x!tpu.dma_semaphore, #tpu.memory_space<semaphore_mem>> -> memref<!tpu.dma_semaphore, #tpu.memory_space<semaphore_mem>>
    tpu.wait_indirect_dma semaphore(%dma_wait3A_224 : memref<!tpu.dma_semaphore, #tpu.memory_space<semaphore_mem>>) src(%dma_wait3A_222 : memref<101x128xf32, #tpu.memory_space<vmem_shared>>) dst(%dma_wait3A_217 : memref<64x128xf32, #tpu.memory_space<vmem>>)
    %add3A_225 = arith.constant 256 : i32
    %add3A_226 = arith.addi %mul3A_2, %add3A_225 : i32
    %dma_start3A_227 = arith.constant 4 : i32
    %dma_start3A_228 = arith.constant 256 : i32
    %dma_start3A_229 = arith.constant 0 : i32
    %dma_start3A_230 = tpu.memref_slice %arg7[%dma_start3A_228, %dma_start3A_229] : memref<512x128xf32, #tpu.memory_space<vmem>> -> memref<64x128xf32, #tpu.memory_space<vmem>>
    %dma_start3A_231 = arith.constant 0 : i32
    %dma_start3A_232 = tpu.memref_slice %arg4[%add3A_226, %dma_start3A_231] : memref<16384x128xf32, #tpu.memory_space<hbm>> -> memref<64x128xf32, #tpu.memory_space<hbm>>
    %dma_start3A_233 = tpu.memref_slice %arg10[%dma_start3A_227] : memref<8x!tpu.dma_semaphore, #tpu.memory_space<semaphore_mem>> -> memref<1x!tpu.dma_semaphore, #tpu.memory_space<semaphore_mem>>
    %dma_start3A_234 = tpu.memref_squeeze %dma_start3A_233 : memref<1x!tpu.dma_semaphore, #tpu.memory_space<semaphore_mem>> -> memref<!tpu.dma_semaphore, #tpu.memory_space<semaphore_mem>>
    %dma_start3A_235 = arith.constant 0 : i32
    %dma_start3A_236 = tpu.memref_slice %arg4[%add3A_226, %dma_start3A_235] : memref<16384x128xf32, #tpu.memory_space<hbm>> -> memref<64x128xf32, #tpu.memory_space<hbm>>
    %dma_start3A_237 = arith.constant 256 : i32
    %dma_start3A_238 = arith.constant 0 : i32
    %dma_start3A_239 = tpu.memref_slice %arg7[%dma_start3A_237, %dma_start3A_238] : memref<512x128xf32, #tpu.memory_space<vmem>> -> memref<64x128xf32, #tpu.memory_space<vmem>>
    tpu.enqueue_dma source(%dma_start3A_239 : memref<64x128xf32, #tpu.memory_space<vmem>>) target(%dma_start3A_236 : memref<64x128xf32, #tpu.memory_space<hbm>>) target_semaphore(%dma_start3A_234 : memref<!tpu.dma_semaphore, #tpu.memory_space<semaphore_mem>>)
    %dma_wait3A_240 = arith.constant 5 : i32
    %dma_wait3A_241 = arith.constant 320 : i32
    %dma_wait3A_242 = arith.constant 0 : i32
    %dma_wait3A_243 = tpu.memref_slice %arg7[%dma_wait3A_241, %dma_wait3A_242] : memref<512x128xf32, #tpu.memory_space<vmem>> -> memref<64x128xf32, #tpu.memory_space<vmem>>
    %dma_wait3A_244 = arith.constant 320 : i32
    %dma_wait3A_245 = tpu.memref_slice %arg5[%dma_wait3A_244] : memref<512xi32, #tpu.memory_space<vmem>> -> memref<64xi32, #tpu.memory_space<vmem>>
    %dma_wait3A_246 = arith.constant 0 : i32
    %dma_wait3A_247 = arith.constant 0 : i32
    %dma_wait3A_248 = tpu.memref_slice %arg6[%dma_wait3A_246, %dma_wait3A_247] : memref<101x128xf32, #tpu.memory_space<vmem_shared>> -> memref<101x128xf32, #tpu.memory_space<vmem_shared>>
    %dma_wait3A_249 = tpu.memref_slice %arg9[%dma_wait3A_240] : memref<8x!tpu.dma_semaphore, #tpu.memory_space<semaphore_mem>> -> memref<1x!tpu.dma_semaphore, #tpu.memory_space<semaphore_mem>>
    %dma_wait3A_250 = tpu.memref_squeeze %dma_wait3A_249 : memref<1x!tpu.dma_semaphore, #tpu.memory_space<semaphore_mem>> -> memref<!tpu.dma_semaphore, #tpu.memory_space<semaphore_mem>>
    tpu.wait_indirect_dma semaphore(%dma_wait3A_250 : memref<!tpu.dma_semaphore, #tpu.memory_space<semaphore_mem>>) src(%dma_wait3A_248 : memref<101x128xf32, #tpu.memory_space<vmem_shared>>) dst(%dma_wait3A_243 : memref<64x128xf32, #tpu.memory_space<vmem>>)
    %add3A_251 = arith.constant 320 : i32
    %add3A_252 = arith.addi %mul3A_2, %add3A_251 : i32
    %dma_start3A_253 = arith.constant 5 : i32
    %dma_start3A_254 = arith.constant 320 : i32
    %dma_start3A_255 = arith.constant 0 : i32
    %dma_start3A_256 = tpu.memref_slice %arg7[%dma_start3A_254, %dma_start3A_255] : memref<512x128xf32, #tpu.memory_space<vmem>> -> memref<64x128xf32, #tpu.memory_space<vmem>>
    %dma_start3A_257 = arith.constant 0 : i32
    %dma_start3A_258 = tpu.memref_slice %arg4[%add3A_252, %dma_start3A_257] : memref<16384x128xf32, #tpu.memory_space<hbm>> -> memref<64x128xf32, #tpu.memory_space<hbm>>
    %dma_start3A_259 = tpu.memref_slice %arg10[%dma_start3A_253] : memref<8x!tpu.dma_semaphore, #tpu.memory_space<semaphore_mem>> -> memref<1x!tpu.dma_semaphore, #tpu.memory_space<semaphore_mem>>
    %dma_start3A_260 = tpu.memref_squeeze %dma_start3A_259 : memref<1x!tpu.dma_semaphore, #tpu.memory_space<semaphore_mem>> -> memref<!tpu.dma_semaphore, #tpu.memory_space<semaphore_mem>>
    %dma_start3A_261 = arith.constant 0 : i32
    %dma_start3A_262 = tpu.memref_slice %arg4[%add3A_252, %dma_start3A_261] : memref<16384x128xf32, #tpu.memory_space<hbm>> -> memref<64x128xf32, #tpu.memory_space<hbm>>
    %dma_start3A_263 = arith.constant 320 : i32
    %dma_start3A_264 = arith.constant 0 : i32
    %dma_start3A_265 = tpu.memref_slice %arg7[%dma_start3A_263, %dma_start3A_264] : memref<512x128xf32, #tpu.memory_space<vmem>> -> memref<64x128xf32, #tpu.memory_space<vmem>>
    tpu.enqueue_dma source(%dma_start3A_265 : memref<64x128xf32, #tpu.memory_space<vmem>>) target(%dma_start3A_262 : memref<64x128xf32, #tpu.memory_space<hbm>>) target_semaphore(%dma_start3A_260 : memref<!tpu.dma_semaphore, #tpu.memory_space<semaphore_mem>>)
    %dma_wait3A_266 = arith.constant 6 : i32
    %dma_wait3A_267 = arith.constant 384 : i32
    %dma_wait3A_268 = arith.constant 0 : i32
    %dma_wait3A_269 = tpu.memref_slice %arg7[%dma_wait3A_267, %dma_wait3A_268] : memref<512x128xf32, #tpu.memory_space<vmem>> -> memref<64x128xf32, #tpu.memory_space<vmem>>
    %dma_wait3A_270 = arith.constant 384 : i32
    %dma_wait3A_271 = tpu.memref_slice %arg5[%dma_wait3A_270] : memref<512xi32, #tpu.memory_space<vmem>> -> memref<64xi32, #tpu.memory_space<vmem>>
    %dma_wait3A_272 = arith.constant 0 : i32
    %dma_wait3A_273 = arith.constant 0 : i32
    %dma_wait3A_274 = tpu.memref_slice %arg6[%dma_wait3A_272, %dma_wait3A_273] : memref<101x128xf32, #tpu.memory_space<vmem_shared>> -> memref<101x128xf32, #tpu.memory_space<vmem_shared>>
    %dma_wait3A_275 = tpu.memref_slice %arg9[%dma_wait3A_266] : memref<8x!tpu.dma_semaphore, #tpu.memory_space<semaphore_mem>> -> memref<1x!tpu.dma_semaphore, #tpu.memory_space<semaphore_mem>>
    %dma_wait3A_276 = tpu.memref_squeeze %dma_wait3A_275 : memref<1x!tpu.dma_semaphore, #tpu.memory_space<semaphore_mem>> -> memref<!tpu.dma_semaphore, #tpu.memory_space<semaphore_mem>>
    tpu.wait_indirect_dma semaphore(%dma_wait3A_276 : memref<!tpu.dma_semaphore, #tpu.memory_space<semaphore_mem>>) src(%dma_wait3A_274 : memref<101x128xf32, #tpu.memory_space<vmem_shared>>) dst(%dma_wait3A_269 : memref<64x128xf32, #tpu.memory_space<vmem>>)
    %add3A_277 = arith.constant 384 : i32
    %add3A_278 = arith.addi %mul3A_2, %add3A_277 : i32
    %dma_start3A_279 = arith.constant 6 : i32
    %dma_start3A_280 = arith.constant 384 : i32
    %dma_start3A_281 = arith.constant 0 : i32
    %dma_start3A_282 = tpu.memref_slice %arg7[%dma_start3A_280, %dma_start3A_281] : memref<512x128xf32, #tpu.memory_space<vmem>> -> memref<64x128xf32, #tpu.memory_space<vmem>>
    %dma_start3A_283 = arith.constant 0 : i32
    %dma_start3A_284 = tpu.memref_slice %arg4[%add3A_278, %dma_start3A_283] : memref<16384x128xf32, #tpu.memory_space<hbm>> -> memref<64x128xf32, #tpu.memory_space<hbm>>
    %dma_start3A_285 = tpu.memref_slice %arg10[%dma_start3A_279] : memref<8x!tpu.dma_semaphore, #tpu.memory_space<semaphore_mem>> -> memref<1x!tpu.dma_semaphore, #tpu.memory_space<semaphore_mem>>
    %dma_start3A_286 = tpu.memref_squeeze %dma_start3A_285 : memref<1x!tpu.dma_semaphore, #tpu.memory_space<semaphore_mem>> -> memref<!tpu.dma_semaphore, #tpu.memory_space<semaphore_mem>>
    %dma_start3A_287 = arith.constant 0 : i32
    %dma_start3A_288 = tpu.memref_slice %arg4[%add3A_278, %dma_start3A_287] : memref<16384x128xf32, #tpu.memory_space<hbm>> -> memref<64x128xf32, #tpu.memory_space<hbm>>
    %dma_start3A_289 = arith.constant 384 : i32
    %dma_start3A_290 = arith.constant 0 : i32
    %dma_start3A_291 = tpu.memref_slice %arg7[%dma_start3A_289, %dma_start3A_290] : memref<512x128xf32, #tpu.memory_space<vmem>> -> memref<64x128xf32, #tpu.memory_space<vmem>>
    tpu.enqueue_dma source(%dma_start3A_291 : memref<64x128xf32, #tpu.memory_space<vmem>>) target(%dma_start3A_288 : memref<64x128xf32, #tpu.memory_space<hbm>>) target_semaphore(%dma_start3A_286 : memref<!tpu.dma_semaphore, #tpu.memory_space<semaphore_mem>>)
    %dma_wait3A_292 = arith.constant 7 : i32
    %dma_wait3A_293 = arith.constant 448 : i32
    %dma_wait3A_294 = arith.constant 0 : i32
    %dma_wait3A_295 = tpu.memref_slice %arg7[%dma_wait3A_293, %dma_wait3A_294] : memref<512x128xf32, #tpu.memory_space<vmem>> -> memref<64x128xf32, #tpu.memory_space<vmem>>
    %dma_wait3A_296 = arith.constant 448 : i32
    %dma_wait3A_297 = tpu.memref_slice %arg5[%dma_wait3A_296] : memref<512xi32, #tpu.memory_space<vmem>> -> memref<64xi32, #tpu.memory_space<vmem>>
    %dma_wait3A_298 = arith.constant 0 : i32
    %dma_wait3A_299 = arith.constant 0 : i32
    %dma_wait3A_300 = tpu.memref_slice %arg6[%dma_wait3A_298, %dma_wait3A_299] : memref<101x128xf32, #tpu.memory_space<vmem_shared>> -> memref<101x128xf32, #tpu.memory_space<vmem_shared>>
    %dma_wait3A_301 = tpu.memref_slice %arg9[%dma_wait3A_292] : memref<8x!tpu.dma_semaphore, #tpu.memory_space<semaphore_mem>> -> memref<1x!tpu.dma_semaphore, #tpu.memory_space<semaphore_mem>>
    %dma_wait3A_302 = tpu.memref_squeeze %dma_wait3A_301 : memref<1x!tpu.dma_semaphore, #tpu.memory_space<semaphore_mem>> -> memref<!tpu.dma_semaphore, #tpu.memory_space<semaphore_mem>>
    tpu.wait_indirect_dma semaphore(%dma_wait3A_302 : memref<!tpu.dma_semaphore, #tpu.memory_space<semaphore_mem>>) src(%dma_wait3A_300 : memref<101x128xf32, #tpu.memory_space<vmem_shared>>) dst(%dma_wait3A_295 : memref<64x128xf32, #tpu.memory_space<vmem>>)
    %add3A_303 = arith.constant 448 : i32
    %add3A_304 = arith.addi %mul3A_2, %add3A_303 : i32
    %dma_start3A_305 = arith.constant 7 : i32
    %dma_start3A_306 = arith.constant 448 : i32
    %dma_start3A_307 = arith.constant 0 : i32
    %dma_start3A_308 = tpu.memref_slice %arg7[%dma_start3A_306, %dma_start3A_307] : memref<512x128xf32, #tpu.memory_space<vmem>> -> memref<64x128xf32, #tpu.memory_space<vmem>>
    %dma_start3A_309 = arith.constant 0 : i32
    %dma_start3A_310 = tpu.memref_slice %arg4[%add3A_304, %dma_start3A_309] : memref<16384x128xf32, #tpu.memory_space<hbm>> -> memref<64x128xf32, #tpu.memory_space<hbm>>
    %dma_start3A_311 = tpu.memref_slice %arg10[%dma_start3A_305] : memref<8x!tpu.dma_semaphore, #tpu.memory_space<semaphore_mem>> -> memref<1x!tpu.dma_semaphore, #tpu.memory_space<semaphore_mem>>
    %dma_start3A_312 = tpu.memref_squeeze %dma_start3A_311 : memref<1x!tpu.dma_semaphore, #tpu.memory_space<semaphore_mem>> -> memref<!tpu.dma_semaphore, #tpu.memory_space<semaphore_mem>>
    %dma_start3A_313 = arith.constant 0 : i32
    %dma_start3A_314 = tpu.memref_slice %arg4[%add3A_304, %dma_start3A_313] : memref<16384x128xf32, #tpu.memory_space<hbm>> -> memref<64x128xf32, #tpu.memory_space<hbm>>
    %dma_start3A_315 = arith.constant 448 : i32
    %dma_start3A_316 = arith.constant 0 : i32
    %dma_start3A_317 = tpu.memref_slice %arg7[%dma_start3A_315, %dma_start3A_316] : memref<512x128xf32, #tpu.memory_space<vmem>> -> memref<64x128xf32, #tpu.memory_space<vmem>>
    tpu.enqueue_dma source(%dma_start3A_317 : memref<64x128xf32, #tpu.memory_space<vmem>>) target(%dma_start3A_314 : memref<64x128xf32, #tpu.memory_space<hbm>>) target_semaphore(%dma_start3A_312 : memref<!tpu.dma_semaphore, #tpu.memory_space<semaphore_mem>>)
    %dma_wait3A_318 = arith.constant 0 : i32
    %dma_wait3A_319 = arith.constant 0 : i32
    %dma_wait3A_320 = arith.constant 0 : i32
    %dma_wait3A_321 = tpu.memref_slice %arg7[%dma_wait3A_319, %dma_wait3A_320] : memref<512x128xf32, #tpu.memory_space<vmem>> -> memref<64x128xf32, #tpu.memory_space<vmem>>
    %dma_wait3A_322 = arith.constant 0 : i32
    %dma_wait3A_323 = tpu.memref_slice %arg4[%add3A_122, %dma_wait3A_322] : memref<16384x128xf32, #tpu.memory_space<hbm>> -> memref<64x128xf32, #tpu.memory_space<hbm>>
    %dma_wait3A_324 = tpu.memref_slice %arg10[%dma_wait3A_318] : memref<8x!tpu.dma_semaphore, #tpu.memory_space<semaphore_mem>> -> memref<1x!tpu.dma_semaphore, #tpu.memory_space<semaphore_mem>>
    %dma_wait3A_325 = tpu.memref_squeeze %dma_wait3A_324 : memref<1x!tpu.dma_semaphore, #tpu.memory_space<semaphore_mem>> -> memref<!tpu.dma_semaphore, #tpu.memory_space<semaphore_mem>>
    %dma_wait3A_326 = arith.constant 0 : i32
    %dma_wait3A_327 = tpu.memref_slice %arg4[%add3A_122, %dma_wait3A_326] : memref<16384x128xf32, #tpu.memory_space<hbm>> -> memref<64x128xf32, #tpu.memory_space<hbm>>
    %dma_wait3A_328 = arith.constant 0 : i32
    %dma_wait3A_329 = arith.constant 0 : i32
    %dma_wait3A_330 = tpu.memref_slice %arg7[%dma_wait3A_328, %dma_wait3A_329] : memref<512x128xf32, #tpu.memory_space<vmem>> -> memref<64x128xf32, #tpu.memory_space<vmem>>
    tpu.wait_dma2 semaphore(%dma_wait3A_325 : memref<!tpu.dma_semaphore, #tpu.memory_space<semaphore_mem>>) src(%dma_wait3A_330 : memref<64x128xf32, #tpu.memory_space<vmem>>) dst(%dma_wait3A_327 : memref<64x128xf32, #tpu.memory_space<hbm>>)
    %dma_wait3A_331 = arith.constant 1 : i32
    %dma_wait3A_332 = arith.constant 64 : i32
    %dma_wait3A_333 = arith.constant 0 : i32
    %dma_wait3A_334 = tpu.memref_slice %arg7[%dma_wait3A_332, %dma_wait3A_333] : memref<512x128xf32, #tpu.memory_space<vmem>> -> memref<64x128xf32, #tpu.memory_space<vmem>>
    %dma_wait3A_335 = arith.constant 0 : i32
    %dma_wait3A_336 = tpu.memref_slice %arg4[%add3A_148, %dma_wait3A_335] : memref<16384x128xf32, #tpu.memory_space<hbm>> -> memref<64x128xf32, #tpu.memory_space<hbm>>
    %dma_wait3A_337 = tpu.memref_slice %arg10[%dma_wait3A_331] : memref<8x!tpu.dma_semaphore, #tpu.memory_space<semaphore_mem>> -> memref<1x!tpu.dma_semaphore, #tpu.memory_space<semaphore_mem>>
    %dma_wait3A_338 = tpu.memref_squeeze %dma_wait3A_337 : memref<1x!tpu.dma_semaphore, #tpu.memory_space<semaphore_mem>> -> memref<!tpu.dma_semaphore, #tpu.memory_space<semaphore_mem>>
    %dma_wait3A_339 = arith.constant 0 : i32
    %dma_wait3A_340 = tpu.memref_slice %arg4[%add3A_148, %dma_wait3A_339] : memref<16384x128xf32, #tpu.memory_space<hbm>> -> memref<64x128xf32, #tpu.memory_space<hbm>>
    %dma_wait3A_341 = arith.constant 64 : i32
    %dma_wait3A_342 = arith.constant 0 : i32
    %dma_wait3A_343 = tpu.memref_slice %arg7[%dma_wait3A_341, %dma_wait3A_342] : memref<512x128xf32, #tpu.memory_space<vmem>> -> memref<64x128xf32, #tpu.memory_space<vmem>>
    tpu.wait_dma2 semaphore(%dma_wait3A_338 : memref<!tpu.dma_semaphore, #tpu.memory_space<semaphore_mem>>) src(%dma_wait3A_343 : memref<64x128xf32, #tpu.memory_space<vmem>>) dst(%dma_wait3A_340 : memref<64x128xf32, #tpu.memory_space<hbm>>)
    %dma_wait3A_344 = arith.constant 2 : i32
    %dma_wait3A_345 = arith.constant 128 : i32
    %dma_wait3A_346 = arith.constant 0 : i32
    %dma_wait3A_347 = tpu.memref_slice %arg7[%dma_wait3A_345, %dma_wait3A_346] : memref<512x128xf32, #tpu.memory_space<vmem>> -> memref<64x128xf32, #tpu.memory_space<vmem>>
    %dma_wait3A_348 = arith.constant 0 : i32
    %dma_wait3A_349 = tpu.memref_slice %arg4[%add3A_174, %dma_wait3A_348] : memref<16384x128xf32, #tpu.memory_space<hbm>> -> memref<64x128xf32, #tpu.memory_space<hbm>>
    %dma_wait3A_350 = tpu.memref_slice %arg10[%dma_wait3A_344] : memref<8x!tpu.dma_semaphore, #tpu.memory_space<semaphore_mem>> -> memref<1x!tpu.dma_semaphore, #tpu.memory_space<semaphore_mem>>
    %dma_wait3A_351 = tpu.memref_squeeze %dma_wait3A_350 : memref<1x!tpu.dma_semaphore, #tpu.memory_space<semaphore_mem>> -> memref<!tpu.dma_semaphore, #tpu.memory_space<semaphore_mem>>
    %dma_wait3A_352 = arith.constant 0 : i32
    %dma_wait3A_353 = tpu.memref_slice %arg4[%add3A_174, %dma_wait3A_352] : memref<16384x128xf32, #tpu.memory_space<hbm>> -> memref<64x128xf32, #tpu.memory_space<hbm>>
    %dma_wait3A_354 = arith.constant 128 : i32
    %dma_wait3A_355 = arith.constant 0 : i32
    %dma_wait3A_356 = tpu.memref_slice %arg7[%dma_wait3A_354, %dma_wait3A_355] : memref<512x128xf32, #tpu.memory_space<vmem>> -> memref<64x128xf32, #tpu.memory_space<vmem>>
    tpu.wait_dma2 semaphore(%dma_wait3A_351 : memref<!tpu.dma_semaphore, #tpu.memory_space<semaphore_mem>>) src(%dma_wait3A_356 : memref<64x128xf32, #tpu.memory_space<vmem>>) dst(%dma_wait3A_353 : memref<64x128xf32, #tpu.memory_space<hbm>>)
    %dma_wait3A_357 = arith.constant 3 : i32
    %dma_wait3A_358 = arith.constant 192 : i32
    %dma_wait3A_359 = arith.constant 0 : i32
    %dma_wait3A_360 = tpu.memref_slice %arg7[%dma_wait3A_358, %dma_wait3A_359] : memref<512x128xf32, #tpu.memory_space<vmem>> -> memref<64x128xf32, #tpu.memory_space<vmem>>
    %dma_wait3A_361 = arith.constant 0 : i32
    %dma_wait3A_362 = tpu.memref_slice %arg4[%add3A_200, %dma_wait3A_361] : memref<16384x128xf32, #tpu.memory_space<hbm>> -> memref<64x128xf32, #tpu.memory_space<hbm>>
    %dma_wait3A_363 = tpu.memref_slice %arg10[%dma_wait3A_357] : memref<8x!tpu.dma_semaphore, #tpu.memory_space<semaphore_mem>> -> memref<1x!tpu.dma_semaphore, #tpu.memory_space<semaphore_mem>>
    %dma_wait3A_364 = tpu.memref_squeeze %dma_wait3A_363 : memref<1x!tpu.dma_semaphore, #tpu.memory_space<semaphore_mem>> -> memref<!tpu.dma_semaphore, #tpu.memory_space<semaphore_mem>>
    %dma_wait3A_365 = arith.constant 0 : i32
    %dma_wait3A_366 = tpu.memref_slice %arg4[%add3A_200, %dma_wait3A_365] : memref<16384x128xf32, #tpu.memory_space<hbm>> -> memref<64x128xf32, #tpu.memory_space<hbm>>
    %dma_wait3A_367 = arith.constant 192 : i32
    %dma_wait3A_368 = arith.constant 0 : i32
    %dma_wait3A_369 = tpu.memref_slice %arg7[%dma_wait3A_367, %dma_wait3A_368] : memref<512x128xf32, #tpu.memory_space<vmem>> -> memref<64x128xf32, #tpu.memory_space<vmem>>
    tpu.wait_dma2 semaphore(%dma_wait3A_364 : memref<!tpu.dma_semaphore, #tpu.memory_space<semaphore_mem>>) src(%dma_wait3A_369 : memref<64x128xf32, #tpu.memory_space<vmem>>) dst(%dma_wait3A_366 : memref<64x128xf32, #tpu.memory_space<hbm>>)
    %dma_wait3A_370 = arith.constant 4 : i32
    %dma_wait3A_371 = arith.constant 256 : i32
    %dma_wait3A_372 = arith.constant 0 : i32
    %dma_wait3A_373 = tpu.memref_slice %arg7[%dma_wait3A_371, %dma_wait3A_372] : memref<512x128xf32, #tpu.memory_space<vmem>> -> memref<64x128xf32, #tpu.memory_space<vmem>>
    %dma_wait3A_374 = arith.constant 0 : i32
    %dma_wait3A_375 = tpu.memref_slice %arg4[%add3A_226, %dma_wait3A_374] : memref<16384x128xf32, #tpu.memory_space<hbm>> -> memref<64x128xf32, #tpu.memory_space<hbm>>
    %dma_wait3A_376 = tpu.memref_slice %arg10[%dma_wait3A_370] : memref<8x!tpu.dma_semaphore, #tpu.memory_space<semaphore_mem>> -> memref<1x!tpu.dma_semaphore, #tpu.memory_space<semaphore_mem>>
    %dma_wait3A_377 = tpu.memref_squeeze %dma_wait3A_376 : memref<1x!tpu.dma_semaphore, #tpu.memory_space<semaphore_mem>> -> memref<!tpu.dma_semaphore, #tpu.memory_space<semaphore_mem>>
    %dma_wait3A_378 = arith.constant 0 : i32
    %dma_wait3A_379 = tpu.memref_slice %arg4[%add3A_226, %dma_wait3A_378] : memref<16384x128xf32, #tpu.memory_space<hbm>> -> memref<64x128xf32, #tpu.memory_space<hbm>>
    %dma_wait3A_380 = arith.constant 256 : i32
    %dma_wait3A_381 = arith.constant 0 : i32
    %dma_wait3A_382 = tpu.memref_slice %arg7[%dma_wait3A_380, %dma_wait3A_381] : memref<512x128xf32, #tpu.memory_space<vmem>> -> memref<64x128xf32, #tpu.memory_space<vmem>>
    tpu.wait_dma2 semaphore(%dma_wait3A_377 : memref<!tpu.dma_semaphore, #tpu.memory_space<semaphore_mem>>) src(%dma_wait3A_382 : memref<64x128xf32, #tpu.memory_space<vmem>>) dst(%dma_wait3A_379 : memref<64x128xf32, #tpu.memory_space<hbm>>)
    %dma_wait3A_383 = arith.constant 5 : i32
    %dma_wait3A_384 = arith.constant 320 : i32
    %dma_wait3A_385 = arith.constant 0 : i32
    %dma_wait3A_386 = tpu.memref_slice %arg7[%dma_wait3A_384, %dma_wait3A_385] : memref<512x128xf32, #tpu.memory_space<vmem>> -> memref<64x128xf32, #tpu.memory_space<vmem>>
    %dma_wait3A_387 = arith.constant 0 : i32
    %dma_wait3A_388 = tpu.memref_slice %arg4[%add3A_252, %dma_wait3A_387] : memref<16384x128xf32, #tpu.memory_space<hbm>> -> memref<64x128xf32, #tpu.memory_space<hbm>>
    %dma_wait3A_389 = tpu.memref_slice %arg10[%dma_wait3A_383] : memref<8x!tpu.dma_semaphore, #tpu.memory_space<semaphore_mem>> -> memref<1x!tpu.dma_semaphore, #tpu.memory_space<semaphore_mem>>
    %dma_wait3A_390 = tpu.memref_squeeze %dma_wait3A_389 : memref<1x!tpu.dma_semaphore, #tpu.memory_space<semaphore_mem>> -> memref<!tpu.dma_semaphore, #tpu.memory_space<semaphore_mem>>
    %dma_wait3A_391 = arith.constant 0 : i32
    %dma_wait3A_392 = tpu.memref_slice %arg4[%add3A_252, %dma_wait3A_391] : memref<16384x128xf32, #tpu.memory_space<hbm>> -> memref<64x128xf32, #tpu.memory_space<hbm>>
    %dma_wait3A_393 = arith.constant 320 : i32
    %dma_wait3A_394 = arith.constant 0 : i32
    %dma_wait3A_395 = tpu.memref_slice %arg7[%dma_wait3A_393, %dma_wait3A_394] : memref<512x128xf32, #tpu.memory_space<vmem>> -> memref<64x128xf32, #tpu.memory_space<vmem>>
    tpu.wait_dma2 semaphore(%dma_wait3A_390 : memref<!tpu.dma_semaphore, #tpu.memory_space<semaphore_mem>>) src(%dma_wait3A_395 : memref<64x128xf32, #tpu.memory_space<vmem>>) dst(%dma_wait3A_392 : memref<64x128xf32, #tpu.memory_space<hbm>>)
    %dma_wait3A_396 = arith.constant 6 : i32
    %dma_wait3A_397 = arith.constant 384 : i32
    %dma_wait3A_398 = arith.constant 0 : i32
    %dma_wait3A_399 = tpu.memref_slice %arg7[%dma_wait3A_397, %dma_wait3A_398] : memref<512x128xf32, #tpu.memory_space<vmem>> -> memref<64x128xf32, #tpu.memory_space<vmem>>
    %dma_wait3A_400 = arith.constant 0 : i32
    %dma_wait3A_401 = tpu.memref_slice %arg4[%add3A_278, %dma_wait3A_400] : memref<16384x128xf32, #tpu.memory_space<hbm>> -> memref<64x128xf32, #tpu.memory_space<hbm>>
    %dma_wait3A_402 = tpu.memref_slice %arg10[%dma_wait3A_396] : memref<8x!tpu.dma_semaphore, #tpu.memory_space<semaphore_mem>> -> memref<1x!tpu.dma_semaphore, #tpu.memory_space<semaphore_mem>>
    %dma_wait3A_403 = tpu.memref_squeeze %dma_wait3A_402 : memref<1x!tpu.dma_semaphore, #tpu.memory_space<semaphore_mem>> -> memref<!tpu.dma_semaphore, #tpu.memory_space<semaphore_mem>>
    %dma_wait3A_404 = arith.constant 0 : i32
    %dma_wait3A_405 = tpu.memref_slice %arg4[%add3A_278, %dma_wait3A_404] : memref<16384x128xf32, #tpu.memory_space<hbm>> -> memref<64x128xf32, #tpu.memory_space<hbm>>
    %dma_wait3A_406 = arith.constant 384 : i32
    %dma_wait3A_407 = arith.constant 0 : i32
    %dma_wait3A_408 = tpu.memref_slice %arg7[%dma_wait3A_406, %dma_wait3A_407] : memref<512x128xf32, #tpu.memory_space<vmem>> -> memref<64x128xf32, #tpu.memory_space<vmem>>
    tpu.wait_dma2 semaphore(%dma_wait3A_403 : memref<!tpu.dma_semaphore, #tpu.memory_space<semaphore_mem>>) src(%dma_wait3A_408 : memref<64x128xf32, #tpu.memory_space<vmem>>) dst(%dma_wait3A_405 : memref<64x128xf32, #tpu.memory_space<hbm>>)
    %dma_wait3A_409 = arith.constant 7 : i32
    %dma_wait3A_410 = arith.constant 448 : i32
    %dma_wait3A_411 = arith.constant 0 : i32
    %dma_wait3A_412 = tpu.memref_slice %arg7[%dma_wait3A_410, %dma_wait3A_411] : memref<512x128xf32, #tpu.memory_space<vmem>> -> memref<64x128xf32, #tpu.memory_space<vmem>>
    %dma_wait3A_413 = arith.constant 0 : i32
    %dma_wait3A_414 = tpu.memref_slice %arg4[%add3A_304, %dma_wait3A_413] : memref<16384x128xf32, #tpu.memory_space<hbm>> -> memref<64x128xf32, #tpu.memory_space<hbm>>
    %dma_wait3A_415 = tpu.memref_slice %arg10[%dma_wait3A_409] : memref<8x!tpu.dma_semaphore, #tpu.memory_space<semaphore_mem>> -> memref<1x!tpu.dma_semaphore, #tpu.memory_space<semaphore_mem>>
    %dma_wait3A_416 = tpu.memref_squeeze %dma_wait3A_415 : memref<1x!tpu.dma_semaphore, #tpu.memory_space<semaphore_mem>> -> memref<!tpu.dma_semaphore, #tpu.memory_space<semaphore_mem>>
    %dma_wait3A_417 = arith.constant 0 : i32
    %dma_wait3A_418 = tpu.memref_slice %arg4[%add3A_304, %dma_wait3A_417] : memref<16384x128xf32, #tpu.memory_space<hbm>> -> memref<64x128xf32, #tpu.memory_space<hbm>>
    %dma_wait3A_419 = arith.constant 448 : i32
    %dma_wait3A_420 = arith.constant 0 : i32
    %dma_wait3A_421 = tpu.memref_slice %arg7[%dma_wait3A_419, %dma_wait3A_420] : memref<512x128xf32, #tpu.memory_space<vmem>> -> memref<64x128xf32, #tpu.memory_space<vmem>>
    tpu.wait_dma2 semaphore(%dma_wait3A_416 : memref<!tpu.dma_semaphore, #tpu.memory_space<semaphore_mem>>) src(%dma_wait3A_421 : memref<64x128xf32, #tpu.memory_space<vmem>>) dst(%dma_wait3A_418 : memref<64x128xf32, #tpu.memory_space<hbm>>)
    return
  }
}

</mosaic_0001>

<sc_bundles>
// kernel: kernel.3.cloned.1.call-start
scs
__scs_entry_jumppad:
0x0: {  	(pc) =	sbr.rel $0x88, $3  }
0x1: {  	(tag) =	ssettag $0x0;
	lr =	simm.s32 $0x1  }
0x2: {  	[smem:$0x3F9F] =	sst lr;
	_ =	strace $0xD0000000  }
0x3: {  	_ = 	snop  }
0x4: {  	_ = 	snop  }
0x5: {  	_ = 	snop  }
0x6: {  	_ = 	snop  }
0x7: {  	_ = 	snop  }
__scs_overlays_trampoline_lowered:
0x8: {  	[smem:$0x3FAE] =	sst s0  }
0x9: {  	[smem:$0x3FAF] =	sst s1  }
0xa: {  	[smem:$0x3FB0] =	sst s2  }
0xb: {  	[smem:$0x3FB1] =	sst s3  }
0xc: {  	[smem:$0x3FB2] =	sst s4  }
0xd: {  	[smem:$0x3FB3] =	sst s5  }
0xe: {  	[smem:$0x3FB4] =	sst s6  }
0xf: {  	[smem:$0x3FB5] =	sst s7  }
0x10: {  	[smem:$0x3FB6] =	sst s8  }
0x11: {  	[smem:$0x3FB7] =	sst s9;
	s0 =	simm.s32 @!p0 $0x0  }
0x12: {  	s1 =	sld [smem:$0x3F9D];
	s0 =	simm.s32 @p0 $0x1  }
0x13: {  	[smem:$0x3FB8] =	sst s0;
	s0 =	simm.s32 @!p1 $0x0  }
0x14: {  	s2 =	sld [smem:$0x3F9C];
	s0 =	simm.s32 @p1 $0x1  }
0x15: {  	[smem:$0x3FB9] =	sst s0;
	s0 =	simm.s32 @!p2 $0x0  }
0x16: {  	s3 =	sld [smem:$0x3FDB];
	s0 =	simm.s32 @p2 $0x1  }
0x17: {  	s4 =	simm.s32 $0x1BF5;
	[smem:$0x3FBB] =	sst s0  }
0x18: {  	s0 =	sld [smem:$0x3F9E];
	_ =	swait.ge [sflag:s4], $0x0  }
0x19: {  	s7 =	sld [smem:$0x3F9F]  }
0x1a: {  	s8 =	sadd.s32 $0xFFFFE003, lr  }
0x1b: {  	s9 =	sadd.s32 $0xFFFFFEF7, lr;
	s5 =	simm.s32 $0xFFFFFFFF;
	p2 =	slt.u32 s8, $0xFFFFF086  }
0x1c: {  	p1 =	slt.u32 s9, $0xF7A;
	s5 =	simm.s32 @!p2 $0x0  }
0x1d: {  	s5 =	simm.s32 @p1 $0x1;
	p0 =	seq.s32 s7, s2  }
0x1e: {  	s7 =	smul.u32 @!p0 $0xF7A, s2;
	p2 =	seq.s32 @!p0 s5, $0x0  }
0x1f: {  	s9 =	smul.u32 $0xF7A, s1;
	s8 =	simm.s32 @!p0 $0x1BF5;
	p2 =	por !p2, p0  }
0x20: {  	[sflag:s8] =	ssyncset.s32 @!p0 $0xFFFFF086;
	s6 =	sadd.s32 @!p0 s3, s7;
	s7 =	simm.s32 @!p0 $0x108  }
0x21: {  	s3 =	sadd.s32 s3, s9;
	s6 =	sadd.s32 @!p0 $0x88, s6;
	s7 =	simm.s32 @p2 $0x1082  }
0x22: {  	[simem:s7], [sflag:s8] =	dma.local @!p0 [hbm:s6], $0xF7A  }
0x23: {  	s9 =	sor.u32 $0xD0000000, s2;
	s6 =	simm.s32 $0x108;
	_ =	swait.ge @!p0 [sflag:s8], $0x0  }
0x24: {  	s3 =	sadd.s32 $0x88, s3;
	s6 =	simm.s32 @!p1 $0x1082;
	[sflag:s4] =	ssyncset.s32 $0xFFFFF086  }
0x25: {  	[simem:s6], [sflag:s4] =	dma.local [hbm:s3], $0xF7A  }
0x26: {  	[smem:$0x3F9F] =	sst s1;
	(tag) =	ssettag s2;
	_ =	strace s9  }
0x27: {  	s1 =	sld [smem:$0x3FAF]  }
0x28: {  	s2 =	sld [smem:$0x3FB0]  }
0x29: {  	s4 =	sld [smem:$0x3FB2]  }
0x2a: {  	p0 =	seq.s32 s5, $0x0;
	s5 =	sld [smem:$0x3FB3]  }
0x2b: {  	s6 =	sld [smem:$0x3FB4]  }
0x2c: {  	s7 =	sld [smem:$0x3FB5]  }
0x2d: {  	s3 =	simm.s32 $0x108;
	s8 =	sld [smem:$0x3FB6]  }
0x2e: {  	s3 =	simm.s32 @!p0 $0x1082;
	s9 =	sld [smem:$0x3FB7]  }
0x2f: {  	lr =	sadd.s32 s0, s3;
	s0 =	sld [smem:$0x3FAE]  }
0x30: {  	s3 =	sld [smem:$0x3FB1]  }
0x31: {  	[smem:$0x3FBA] =	sst s10  }
0x32: {  	s10 =	sld [smem:$0x3FB8];
	_ =	sdelay $0x3  }
0x33: {  	p0 =	seq.s32 s10, $0x1;
	s10 =	sld [smem:$0x3FBA];
	_ =	sdelay $0x3  }
0x34: {  	[smem:$0x3FBA] =	sst s10  }
0x35: {  	s10 =	sld [smem:$0x3FB9];
	_ =	sdelay $0x3  }
0x36: {  	p1 =	seq.s32 s10, $0x1;
	s10 =	sld [smem:$0x3FBA];
	_ =	sdelay $0x3  }
0x37: {  	[smem:$0x3FBA] =	sst s10  }
0x38: {  	s10 =	sld [smem:$0x3FBB]  }
0x39: {  	_ = 	snop;
	(pc) =	sbr.ind lr, $3  }
0x3a: {  	_ = 	snop  }
0x3b: {  	_ = 	snop  }
0x3c: {  	p2 =	seq.s32 s10, $0x1;
	s10 =	sld [smem:$0x3FBA]  }
0x3d: {  	_ =	shalt  }
0x3e: {  	_ =	shalt  }
0x3f: {  	_ =	shalt  }
0x40: {  	_ =	shalt  }
0x41: {  	_ =	shalt  }
0x42: {  	_ =	shalt  }
0x43: {  	_ =	shalt  }
0x44: {  	_ =	shalt  }
0x45: {  	_ =	shalt  }
0x46: {  	_ =	shalt  }
0x47: {  	_ =	shalt  }
0x48: {  	_ =	shalt  }
0x49: {  	_ =	shalt  }
0x4a: {  	_ =	shalt  }
0x4b: {  	_ =	shalt  }
0x4c: {  	_ =	shalt  }
0x4d: {  	_ =	shalt  }
0x4e: {  	_ =	shalt  }
0x4f: {  	_ =	shalt  }
0x50: {  	_ =	shalt  }
0x51: {  	_ =	shalt  }
0x52: {  	_ =	shalt  }
0x53: {  	_ =	shalt  }
0x54: {  	_ =	shalt  }
0x55: {  	_ =	shalt  }
0x56: {  	_ =	shalt  }
0x57: {  	_ =	shalt  }
0x58: {  	_ =	shalt  }
0x59: {  	_ =	shalt  }
0x5a: {  	_ =	shalt  }
0x5b: {  	_ =	shalt  }
0x5c: {  	_ =	shalt  }
0x5d: {  	_ =	shalt  }
0x5e: {  	_ =	shalt  }
0x5f: {  	_ =	shalt  }
0x60: {  	_ =	shalt  }
0x61: {  	_ =	shalt  }
0x62: {  	_ =	shalt  }
0x63: {  	_ =	shalt  }
0x64: {  	_ =	shalt  }
0x65: {  	_ =	shalt  }
0x66: {  	_ =	shalt  }
0x67: {  	_ =	shalt  }
0x68: {  	_ =	shalt  }
0x69: {  	_ =	shalt  }
0x6a: {  	_ =	shalt  }
0x6b: {  	_ =	shalt  }
0x6c: {  	_ =	shalt  }
0x6d: {  	_ =	shalt  }
0x6e: {  	_ =	shalt  }
0x6f: {  	_ =	shalt  }
0x70: {  	_ =	shalt  }
0x71: {  	_ =	shalt  }
0x72: {  	_ =	shalt  }
0x73: {  	_ =	shalt  }
0x74: {  	_ =	shalt  }
0x75: {  	_ =	shalt  }
0x76: {  	_ =	shalt  }
0x77: {  	_ =	shalt  }
0x78: {  	_ =	shalt  }
0x79: {  	_ =	shalt  }
0x7a: {  	_ =	shalt  }
0x7b: {  	_ =	shalt  }
0x7c: {  	_ =	shalt  }
0x7d: {  	_ =	shalt  }
0x7e: {  	_ =	shalt  }
0x7f: {  	_ =	shalt  }
0x80: {  	_ =	shalt  }
0x81: {  	_ =	shalt  }
0x82: {  	_ =	shalt  }
0x83: {  	_ =	shalt  }
0x84: {  	_ =	shalt  }
0x85: {  	_ =	shalt  }
0x86: {  	_ =	shalt  }
0x87: {  	_ =	shalt  }
.Lfunc_end0:
.L_simem_size_0:
called_computation_lowered:
.L_overlay_start_0:
0x88: {  	s2 =	sld [smem:$0x3FD9]  }
0x89: {  	s3 =	sld [smem:$0x3FFE];
	_ =	sdelay $0x1  }
0x8a: {  	s1 =	srdreg.scid  }
0x8b: {  	s0 =	sand.u32 $0x1, s1  }
0x8c: {  	s18 =	sshll.u32 s0, $0xA;
	s2 =	sadd.s32 s3, s2  }
0x8d: {  	s2 =	sadd.s32 s2, s18  }
0x8e: {  	[smem:$0x3FC6] =	sst s2  }
0x8f: {  	_ = 	snop  }
0x90: {  	s2 =	sld [smem:$0x3FC9]  }
0x91: {  	s19 =	sld [smem:$0x3FC8]  }
0x92: {  	s4 =	sld [smem:$0x3FD0];
	(tm) =	ssettm $0x1  }
0x93: {  	s5 =	sld [smem:$0x3FFB];
	_ =	sdelay $0x3  }
0x94: {  	_ =	strace s5  }
0x95: {  	s5 =	sld [smem:$0x3FFC];
	_ =	sdelay $0x3  }
0x96: {  	_ =	strace s5  }
0x97: {  	s5 =	sld [smem:$0x3FFD];
	_ =	sdelay $0x3  }
0x98: {  	_ =	strace s5  }
0x99: {  	_ =	strace $0x8FFFFFFF  }
0x9a: {  	s20 =	sld [smem:$0x3FDB];
	_ =	sdelay $0x1  }
0x9b: {  	s6 =	simm.s32 $_scs_section_size  }
0x9c: {  	s7 =	simm.s32 $_size__tile_overlayer_lowered;
	s8 =	simm.s32 $_tile_overlayer_lowered  }
0x9d: {  	s23 =	simm.s32 $0x1BFF;
	s22 =	sshll.u32 s8, $0x1;
	s5 =	sadd.s32 s6, s20  }
0x9e: {  	s9 =	simm.s32 $0x0;
	s21 =	sshll.u32 s7, $0x1;
	s7 =	sadd.s32 s22, s5  }
0x9f: {  	[timem:s9], [sflag:s23] =	dma.local [hbm:s7], s21  }
0xa0: {  	_ =	swait.ge [sflag:s23], s21  }
0xa1: {  	s6 =	ssub.s32 $0x0, s21;
	[sflag:s23] =	ssyncset.done $0x0  }
0xa2: {  	[sflag:s23] =	ssyncadd.s32 s6;
	_ =	sdelay $0x1  }
0xa3: {  	s24 =	simm.s32 $0x1B8B  }
0xa4: {  	_ =	swait.ge [sflag:s24], $0x1  }
0xa5: {  	[sflag:s24] =	ssyncset.done $0x0  }
0xa6: {  	s25 =	simm.s32 $0x1B8E;
	[sflag:s24] =	ssyncadd.s32 $0xFFFFFFFF  }
0xa7: {  	s26 =	simm.s32 $execute0_lowered;
	[smem:$0x3FD2] =	sst s25  }
0xa8: {  	s6 =	sshll.u32 s26, $0x1;
	_ =	strace $0x80000046;
	[dreg:$0x1] =	wrdreg $0xFFFFFFFF  }
0xa9: {  	s28 =	simm.s32 $_size_execute0_lowered;
	s5 =	sadd.s32 s5, s6;
	[dreg:$0x0] =	wrdreg $0x0  }
0xaa: {  	s6 =	sshll.u32 s28, $0x1;
	[dreg:$0x2] =	wrdreg s5  }
0xab: {  	[dreg:$0x3] =	wrdreg s6  }
0xac: {  	[dreg:$0x4] =	wrdreg $0xC0  }
0xad: {  	_ =	task [dreg:s9], $0x5FFFF  }
0xae: {  	[dreg:$0x1] =	wrdreg $0xFFFFFFFF  }
0xaf: {  	[dreg:$0x0] =	wrdreg $0x60  }
0xb0: {  	[dreg:$0x2] =	wrdreg s19  }
0xb1: {  	[dreg:$0x3] =	wrdreg s2  }
0xb2: {  	[dreg:$0x4] =	wrdreg s4  }
0xb3: {  	[dreg:$0x5] =	wrdreg $0x2000  }
0xb4: {  	[dreg:$0x6] =	wrdreg $0x9  }
0xb5: {  	_ =	task.clear_ibuf [dreg:s9], $0x7FFFF;
	_ =	strace $0x90000046  }
0xb6: {  	s29 =	simm.s32 $0x9;
	_ =	strace $0x80000048  }
0xb7: {  	_ =	swait.ge [sflag:s29], $0x1  }
0xb8: {  	[sflag:s29] =	ssyncadd.s32 $0xFFFFFFFF  }
0xb9: {  	_ =	strace $0x90000048  }
0xba: {  	_ =	sfence  }
0xbb: {  	s30 =	sld [smem:$0x0];
	_ =	sdelay $0x2  }
0xbc: {  	s31 =	sshll.u32 s1, $0xD;
	s1 =	sshrl.u32 s1, $0x2  }
0xbd: {  	s3 =	sand.u32 $0x4000, s31;
	s1 =	sadd.s32 s1, s30  }
0xbe: {  	s0 =	sor.u32 s3, s0;
	s1 =	sshll.u32 s1, $0x11  }
0xbf: {  	s0 =	sor.u32 s1, s0  }
0xc0: {  	s0 =	sadd.s32 $0x8F2B, s0  }
0xc1: {  	[sflag:s0] =	ssyncadd.remote.s32 $0x1  }
0xc2: {  	_ =	sfence.sel $0xFFFF  }
0xc3: {  	[dreg:$0x0] =	wrdreg $0xFFFFFFFF;
	(pc) =	sbr.abs _section_cstart, $3  }
0xc4: {  	[dreg:$0x1] =	wrdreg $0xFFFFFFFF  }
0xc5: {  	_ =	task.clear_ibuf [dreg:s9], $0x2FFFF;
	_ =	strace $0x9FFFFFFF  }
0xc6: {  	(tm) =	ssettm $0x7FFFFFFF  }
0xc7: {  	_ =	shalt  }
tec
execute0_lowered:
.L_overlay_start_1:
0x0: {  	(tag) =	ssettag $0x1  }
0x1: {  	s8 =	rddreg [dreg:$0x0]  }
0x2: {  	s0 =	rddreg [dreg:$0x1]  }
0x3: {  	s2 =	rddreg [dreg:$0x2]  }
0x4: {  	s3 =	rddreg [dreg:$0x3];
	s4 =	simm.s32 $0x0  }
0x5: {  	[smem:$0x7FF] =	sst s4;
	s17 =	sadd.s32 $0x600, s8  }
0x6: {  	s18 =	sadd.s32 $0x400, s8;
	_ =	strace $0x80000047;
	[dreg:$0x6] =	wrdreg s17  }
0x7: {  	s1 =	srdreg.scid;
	s19 =	sadd.s32 $0x200, s8;
	[dreg:$0x7] =	wrdreg s18  }
0x8: {  	s7 =	stileid.u32;
	s9 =	simm.s32 $0x80;
	[dreg:$0x8] =	wrdreg s19  }
0x9: {  	s11 =	simm.s32 $0xC0;
	s12 =	simm.s32 $0x100;
	[dreg:$0x14] =	wrdreg s9  }
0xa: {  	s13 =	simm.s32 $0x140;
	s14 =	simm.s32 $0x180;
	[dreg:$0x15] =	wrdreg s11  }
0xb: {  	s5 =	sand.u32 $0x1, s1;
	s16 =	sshll.u32 s7, $0xA;
	[dreg:$0x16] =	wrdreg s12  }
0xc: {  	p3 =	sgt.s32 s7, $0x1;
	s6 =	sshll.u32 s5, $0x9;
	[dreg:$0x17] =	wrdreg s13  }
0xd: {  	p1 =	seq.s32 @p3 s7, $0x2;
	[dreg:$0x18] =	wrdreg s14;
	s1 =	sor.u32 s6, s16  }
0xe: {  	s16 =	simm.s32 $0x1C0;
	s6 =	sshrl.u32 s1, $0x3;
	s1 =	sshll.u32 s1, $0x4  }
0xf: {  	[dreg:$0x19] =	wrdreg s16;
	s0 =	sadd.s32 s0, s6;
	s10 =	sadd.s32 s2, s1  }
0x10: {  	p4 =	seq.s32 @!p3 s7, $0x0;
	[dreg:$0x5] =	wrdreg s0;
	s20 =	sadd.s32 $0x400, s10  }
0x11: {  	p2 =	por p1, !p3;
	s21 =	sadd.s32 $0x800, s10;
	[dreg:$0x9] =	wrdreg s20  }
0x12: {  	p0 =	por !p1, !p3;
	s22 =	sadd.s32 $0xC00, s10;
	[dreg:$0xa] =	wrdreg s21  }
0x13: {  	p2 =	seq.s32 @!p2 s7, $0x3;
	s23 =	sadd.s32 $0x1000, s10;
	[dreg:$0xb] =	wrdreg s22  }
0x14: {  	s1 =	sadd.s32 $0x3000, s3;
	s24 =	sadd.s32 $0x1400, s10;
	[dreg:$0xc] =	wrdreg s23  }
0x15: {  	s2 =	sadd.s32 $0x2000, s3;
	s25 =	sadd.s32 $0x1800, s10;
	[dreg:$0xd] =	wrdreg s24  }
0x16: {  	p1 =	por @p3 !p2, p1;
	s26 =	sadd.s32 $0x1C00, s10;
	[dreg:$0xe] =	wrdreg s25  }
0x17: {  	p2 =	por p4, p3;
	s0 =	sshrl.u32 @!p0 s2, $0x3;
	[dreg:$0xf] =	wrdreg s26  }
0x18: {  	p1 =	por p1, !p3;
	p5 =	seq.s32 @!p2 s7, $0x1;
	[dreg:$0x11] =	wrdreg s0  }
0x19: {  	p2 =	por !p4, p3;
	s0 =	sshrl.u32 @!p1 s1, $0x3;
	s15 =	rddreg [dreg:$0x5]  }
0x1a: {  	p4 =	por @!p3 !p5, p4;
	[dreg:$0x10] =	wrdreg s0;
	s0 =	sshrl.u32 @!p2 s3, $0x3  }
0x1b: {  	[tilespmem:s4], [sflag:$0x1] =	stream.linear.gather [hbm4b:s15+s4], $0x200, $0x38;
	[tilespmem:$0x10528] =	vst v63  }
0x1c: {  	s6 =	sadd.s32 $0x1000, s3;
	p3 =	por p4, p3;
	[dreg:$0x13] =	wrdreg s0  }
0x1d: {  	s0 =	sshrl.u32 @!p3 s6, $0x3;
	s6 =	rddreg [dreg:$0x7]  }
0x1e: {  	[dreg:$0x12] =	wrdreg s0  }
0x1f: {  	s2 =	simm.s32 @!p0 $0x1C92;
	s7 =	simm.s32 @!p0 $0x12;
	s0 =	rddreg [dreg:$0x11]  }
0x20: {  	[spmem:s0], [sflag:s2] =	dma.local @!p0 [hbm:s6], $0x200  }
0x21: {  	_ =	swait.ge @!p0 [sflag:s7], $0x200  }
0x22: {  	s2 =	simm.s32 @!p1 $0x1CD2;
	s0 =	rddreg [dreg:$0x6];
	[sflag:s7] =	ssyncset.done @!p0 $0x0  }
0x23: {  	s6 =	simm.s32 @!p1 $0x12;
	s1 =	rddreg [dreg:$0x10];
	[sflag:s7] =	ssyncadd.s32 @!p0 $0xFFFFFE00  }
0x24: {  	[spmem:s1], [sflag:s2] =	dma.local @!p1 [hbm:s0], $0x50  }
0x25: {  	_ =	swait.ge @!p1 [sflag:s6], $0x50  }
0x26: {  	s1 =	simm.s32 @!p2 $0x1C12;
	[sflag:s6] =	ssyncset.done @!p1 $0x0  }
0x27: {  	s2 =	simm.s32 @!p2 $0x12;
	s0 =	rddreg [dreg:$0x13];
	[sflag:s6] =	ssyncadd.s32 @!p1 $0xFFFFFFB0  }
0x28: {  	[spmem:s0], [sflag:s1] =	dma.local @!p2 [hbm:s8], $0x200  }
0x29: {  	_ =	swait.ge @!p2 [sflag:s2], $0x200  }
0x2a: {  	s6 =	simm.s32 @!p3 $0x12;
	s0 =	rddreg [dreg:$0x8];
	[sflag:s2] =	ssyncset.done @!p2 $0x0  }
0x2b: {  	s1 =	rddreg [dreg:$0x12];
	[sflag:s2] =	ssyncadd.s32 @!p2 $0xFFFFFE00;
	s2 =	simm.s32 @!p3 $0x1C52  }
0x2c: {  	[spmem:s1], [sflag:s2] =	dma.local @!p3 [hbm:s0], $0x200  }
0x2d: {  	_ =	swait.ge @!p3 [sflag:s6], $0x200  }
0x2e: {  	[sflag:s6] =	ssyncset.done @!p3 $0x0  }
0x2f: {  	[sflag:s6] =	ssyncadd.s32 @!p3 $0xFFFFFE00  }
0x30: {  	s14 =	simm.s32 $0x1;
	[bflag:$0x0] =	sbarrier.arrive $0xFFFF  }
0x31: {  	_ =	swait.ge [sflag:s14], $0x200  }
0x32: {  	[sflag:s14] =	ssyncset.done $0x0  }
0x33: {  	s17 =	simm.s32 $0x528;
	s15 =	simm.s32 $0x40;
	[sflag:s14] =	ssyncadd.s32 $0xFFFFFE00  }
0x34: {  	[tilespmem:s17], [sflag:$0x2] =	stream.indirect.gather [spmem:s3], $0x80, s4, s15, $0xb8;
	[tilespmem:$0x10528] =	vst v63  }
0x35: {  	s18 =	simm.s32 $0x2528  }
0x36: {  	[tilespmem:s18], [sflag:$0x3] =	stream.indirect.gather [spmem:s3], $0x80, s15, s15, $0xb8;
	[tilespmem:$0x10528] =	vst v63  }
0x37: {  	s20 =	simm.s32 $0x4528;
	s19 =	rddreg [dreg:$0x14]  }
0x38: {  	[tilespmem:s20], [sflag:$0x4] =	stream.indirect.gather [spmem:s3], $0x80, s19, s15, $0xb8;
	[tilespmem:$0x10528] =	vst v63  }
0x39: {  	s12 =	simm.s32 $0x6528;
	s21 =	rddreg [dreg:$0x15]  }
0x3a: {  	[tilespmem:s12], [sflag:$0x5] =	stream.indirect.gather [spmem:s3], $0x80, s21, s15, $0xb8;
	[tilespmem:$0x10528] =	vst v63  }
0x3b: {  	s23 =	simm.s32 $0x8528;
	s22 =	rddreg [dreg:$0x16]  }
0x3c: {  	[tilespmem:s23], [sflag:$0x6] =	stream.indirect.gather [spmem:s3], $0x80, s22, s15, $0xb8;
	[tilespmem:$0x10528] =	vst v63  }
0x3d: {  	s9 =	simm.s32 $0xA528;
	s11 =	rddreg [dreg:$0x17]  }
0x3e: {  	[tilespmem:s9], [sflag:$0x7] =	stream.indirect.gather [spmem:s3], $0x80, s11, s15, $0xb8;
	[tilespmem:$0x10528] =	vst v63  }
0x3f: {  	s13 =	rddreg [dreg:$0x18];
	s11 =	simm.s32 $0xC528  }
0x40: {  	[tilespmem:s11], [sflag:$0x8] =	stream.indirect.gather [spmem:s3], $0x80, s13, s15, $0xb8;
	[tilespmem:$0x10528] =	vst v63  }
0x41: {  	s24 =	simm.s32 $0x2;
	s16 =	rddreg [dreg:$0x19];
	s13 =	simm.s32 $0xE528  }
0x42: {  	[tilespmem:s13], [sflag:$0x9] =	stream.indirect.gather [spmem:s3], $0x80, s16, s15, $0xb8;
	[tilespmem:$0x10528] =	vst v63  }
0x43: {  	_ =	swait.ge [sflag:s24], $0x2000  }
0x44: {  	[sflag:s24] =	ssyncset.done $0x0  }
0x45: {  	s25 =	simm.s32 $0x3;
	[dreg:$0x1a] =	wrdreg s10;
	[sflag:s24] =	ssyncadd.s32 $0xFFFFE000  }
0x46: {  	[hbm4b:s10+s4] =	stream.linear.scatter [tilespmem:s17], [sflag:$0xA], $0x2000, $0x38;
	[tilespmem:$0x10528] =	vst v63  }
0x47: {  	_ =	swait.ge [sflag:s25], $0x2000  }
0x48: {  	[sflag:s25] =	ssyncset.done $0x0  }
0x49: {  	s26 =	simm.s32 $0x4;
	s17 =	rddreg [dreg:$0x9];
	[sflag:s25] =	ssyncadd.s32 $0xFFFFE000  }
0x4a: {  	[hbm4b:s17+s4] =	stream.linear.scatter [tilespmem:s18], [sflag:$0xB], $0x2000, $0x38;
	[tilespmem:$0x10528] =	vst v63  }
0x4b: {  	_ =	swait.ge [sflag:s26], $0x2000  }
0x4c: {  	[sflag:s26] =	ssyncset.done $0x0  }
0x4d: {  	s28 =	simm.s32 $0x5;
	s18 =	rddreg [dreg:$0xa];
	[sflag:s26] =	ssyncadd.s32 $0xFFFFE000  }
0x4e: {  	[hbm4b:s18+s4] =	stream.linear.scatter [tilespmem:s20], [sflag:$0xC], $0x2000, $0x38;
	[tilespmem:$0x10528] =	vst v63  }
0x4f: {  	_ =	swait.ge [sflag:s28], $0x2000  }
0x50: {  	[sflag:s28] =	ssyncset.done $0x0  }
0x51: {  	s29 =	simm.s32 $0x6;
	s19 =	rddreg [dreg:$0xb];
	[sflag:s28] =	ssyncadd.s32 $0xFFFFE000  }
0x52: {  	[hbm4b:s19+s4] =	stream.linear.scatter [tilespmem:s12], [sflag:$0xD], $0x2000, $0x38;
	[tilespmem:$0x10528] =	vst v63  }
0x53: {  	_ =	swait.ge [sflag:s29], $0x2000  }
0x54: {  	[sflag:s29] =	ssyncset.done $0x0  }
0x55: {  	s30 =	simm.s32 $0x7;
	s20 =	rddreg [dreg:$0xc];
	[sflag:s29] =	ssyncadd.s32 $0xFFFFE000  }
0x56: {  	[hbm4b:s20+s4] =	stream.linear.scatter [tilespmem:s23], [sflag:$0xE], $0x2000, $0x38;
	[tilespmem:$0x10528] =	vst v63  }
0x57: {  	_ =	swait.ge [sflag:s30], $0x2000  }
0x58: {  	[sflag:s30] =	ssyncset.done $0x0  }
0x59: {  	s31 =	simm.s32 $0x8;
	s21 =	rddreg [dreg:$0xd];
	[sflag:s30] =	ssyncadd.s32 $0xFFFFE000  }
0x5a: {  	[hbm4b:s21+s4] =	stream.linear.scatter [tilespmem:s9], [sflag:$0xF], $0x2000, $0x38;
	[tilespmem:$0x10528] =	vst v63  }
0x5b: {  	_ =	swait.ge [sflag:s31], $0x2000  }
0x5c: {  	[sflag:s31] =	ssyncset.done $0x0  }
0x5d: {  	s1 =	simm.s32 $0x9;
	s22 =	rddreg [dreg:$0xe];
	[sflag:s31] =	ssyncadd.s32 $0xFFFFE000  }
0x5e: {  	[hbm4b:s22+s4] =	stream.linear.scatter [tilespmem:s11], [sflag:$0x10], $0x2000, $0x38;
	[tilespmem:$0x10528] =	vst v63  }
0x5f: {  	_ =	swait.ge [sflag:s1], $0x2000  }
0x60: {  	[sflag:s1] =	ssyncset.done $0x0  }
0x61: {  	s0 =	simm.s32 $0xA;
	s23 =	rddreg [dreg:$0xf];
	[sflag:s1] =	ssyncadd.s32 $0xFFFFE000  }
0x62: {  	[hbm4b:s23+s4] =	stream.linear.scatter [tilespmem:s13], [sflag:$0x11], $0x2000, $0x38;
	[tilespmem:$0x10528] =	vst v63  }
0x63: {  	_ =	swait.ge [sflag:s0], $0x2000  }
0x64: {  	[sflag:s0] =	ssyncset.done $0x0  }
0x65: {  	s2 =	simm.s32 $0xB;
	[sflag:s0] =	ssyncadd.s32 $0xFFFFE000  }
0x66: {  	_ =	swait.ge [sflag:s2], $0x2000  }
0x67: {  	[sflag:s2] =	ssyncset.done $0x0  }
0x68: {  	s6 =	simm.s32 $0xC;
	[sflag:s2] =	ssyncadd.s32 $0xFFFFE000  }
0x69: {  	_ =	swait.ge [sflag:s6], $0x2000  }
0x6a: {  	[sflag:s6] =	ssyncset.done $0x0  }
0x6b: {  	s8 =	simm.s32 $0xD;
	[sflag:s6] =	ssyncadd.s32 $0xFFFFE000  }
0x6c: {  	_ =	swait.ge [sflag:s8], $0x2000  }
0x6d: {  	s5 =	ssub.s32 $0x2, s5;
	[sflag:s8] =	ssyncset.done $0x0  }
0x6e: {  	s16 =	sshrl.u32 s5, $0x1;
	s10 =	simm.s32 $0xE;
	[sflag:s8] =	ssyncadd.s32 $0xFFFFE000  }
0x6f: {  	s5 =	ssub.s32 s5, s16;
	_ =	swait.ge [sflag:s10], $0x2000  }
0x70: {  	s16 =	smax.u32 s5, $0x1;
	[sflag:s10] =	ssyncset.done $0x0  }
0x71: {  	s16 =	sadd.s32 $0xFFFFFFFF, s16;
	s12 =	simm.s32 $0xF;
	[sflag:s10] =	ssyncadd.s32 $0xFFFFE000  }
0x72: {  	p4 =	sne.s32 s16, $0x0;
	_ =	swait.ge [sflag:s12], $0x2000  }
.Ltmp0:
0x73: {  	[sflag:s12] =	ssyncset.done $0x0;
	(pc) =	sbr.rel @!p4 .LBB2_3-.Ltmp0, $4  }
0x74: {  	s5 =	simm.s32 $0x10;
	[sflag:s12] =	ssyncadd.s32 $0xFFFFE000  }
0x75: {  	_ =	swait.ge [sflag:s5], $0x2000  }
0x76: {  	[sflag:s5] =	ssyncset.done $0x0  }
0x77: {  	s17 =	simm.s32 $0x11;
	[sflag:s5] =	ssyncadd.s32 $0xFFFFE000  }
0x78: {  	s22 =	simm.s32 $0x528;
	s23 =	simm.s32 $0x2528;
	s21 =	simm.s32 $0x4528  }
0x79: {  	s9 =	simm.s32 $0x8528;
	s11 =	simm.s32 $0xA528;
	s13 =	simm.s32 $0xC528  }
.LBB2_2:
0x7a: {  	_ =	swait.ge [sflag:s17], $0x2000  }
0x7b: {  	s18 =	rddreg [dreg:$0x11];
	[sflag:s17] =	ssyncset.done $0x0  }
0x7c: {  	s19 =	rddreg [dreg:$0x5];
	[sflag:s17] =	ssyncadd.s32 $0xFFFFE000  }
0x7d: {  	[tilespmem:s4], [sflag:$0x1] =	stream.linear.gather [hbm4b:s19+s4], $0x200, $0x38;
	[tilespmem:$0x10528] =	vst v63  }
0x7e: {  	s7 =	simm.s32 @!p0 $0x12;
	s20 =	rddreg [dreg:$0x7];
	s19 =	simm.s32 @!p0 $0x1C92  }
0x7f: {  	[spmem:s18], [sflag:s19] =	dma.local @!p0 [hbm:s20], $0x200  }
0x80: {  	_ =	swait.ge @!p0 [sflag:s7], $0x200  }
0x81: {  	s20 =	simm.s32 @!p1 $0x1CD2;
	[sflag:s7] =	ssyncset.done @!p0 $0x0;
	s18 =	rddreg [dreg:$0x6]  }
0x82: {  	s19 =	rddreg [dreg:$0x10];
	[sflag:s7] =	ssyncadd.s32 @!p0 $0xFFFFFE00;
	s7 =	simm.s32 @!p1 $0x12  }
0x83: {  	[spmem:s19], [sflag:s20] =	dma.local @!p1 [hbm:s18], $0x50  }
0x84: {  	_ =	swait.ge @!p1 [sflag:s7], $0x50  }
0x85: {  	[sflag:s7] =	ssyncset.done @!p1 $0x0  }
0x86: {  	s18 =	rddreg [dreg:$0x13];
	[sflag:s7] =	ssyncadd.s32 @!p1 $0xFFFFFFB0  }
0x87: {  	s20 =	simm.s32 @!p2 $0x1C12;
	s7 =	simm.s32 @!p2 $0x12;
	s19 =	rddreg [dreg:$0x0]  }
0x88: {  	[spmem:s18], [sflag:s20] =	dma.local @!p2 [hbm:s19], $0x200  }
0x89: {  	_ =	swait.ge @!p2 [sflag:s7], $0x200  }
0x8a: {  	s20 =	simm.s32 @!p3 $0x1C52;
	[sflag:s7] =	ssyncset.done @!p2 $0x0;
	s18 =	rddreg [dreg:$0x8]  }
0x8b: {  	s19 =	rddreg [dreg:$0x12];
	[sflag:s7] =	ssyncadd.s32 @!p2 $0xFFFFFE00;
	s7 =	simm.s32 @!p3 $0x12  }
0x8c: {  	[spmem:s19], [sflag:s20] =	dma.local @!p3 [hbm:s18], $0x200  }
0x8d: {  	_ =	swait.ge @!p3 [sflag:s7], $0x200  }
0x8e: {  	[sflag:s7] =	ssyncset.done @!p3 $0x0  }
0x8f: {  	[sflag:s7] =	ssyncadd.s32 @!p3 $0xFFFFFE00  }
0x90: {  	[bflag:$0x0] =	sbarrier.arrive $0xFFFF  }
0x91: {  	_ =	swait.ge [sflag:s14], $0x200  }
0x92: {  	[sflag:s14] =	ssyncset.done $0x0  }
0x93: {  	[sflag:s14] =	ssyncadd.s32 $0xFFFFFE00  }
0x94: {  	[tilespmem:s22], [sflag:$0x2] =	stream.indirect.gather [spmem:s3], $0x80, s4, s15, $0xb8;
	[tilespmem:$0x10528] =	vst v63  }
0x95: {  	_ = 	snop  }
0x96: {  	[tilespmem:s23], [sflag:$0x3] =	stream.indirect.gather [spmem:s3], $0x80, s15, s15, $0xb8;
	[tilespmem:$0x10528] =	vst v63  }
0x97: {  	s7 =	rddreg [dreg:$0x14]  }
0x98: {  	[tilespmem:s21], [sflag:$0x4] =	stream.indirect.gather [spmem:s3], $0x80, s7, s15, $0xb8;
	[tilespmem:$0x10528] =	vst v63  }
0x99: {  	s19 =	rddreg [dreg:$0x15];
	s7 =	simm.s32 $0x6528  }
0x9a: {  	[tilespmem:s7], [sflag:$0x5] =	stream.indirect.gather [spmem:s3], $0x80, s19, s15, $0xb8;
	[tilespmem:$0x10528] =	vst v63  }
0x9b: {  	s20 =	rddreg [dreg:$0x16]  }
0x9c: {  	[tilespmem:s9], [sflag:$0x6] =	stream.indirect.gather [spmem:s3], $0x80, s20, s15, $0xb8;
	[tilespmem:$0x10528] =	vst v63  }
0x9d: {  	s18 =	rddreg [dreg:$0x17]  }
0x9e: {  	[tilespmem:s11], [sflag:$0x7] =	stream.indirect.gather [spmem:s3], $0x80, s18, s15, $0xb8;
	[tilespmem:$0x10528] =	vst v63  }
0x9f: {  	s19 =	rddreg [dreg:$0x18]  }
0xa0: {  	[tilespmem:s13], [sflag:$0x8] =	stream.indirect.gather [spmem:s3], $0x80, s19, s15, $0xb8;
	[tilespmem:$0x10528] =	vst v63  }
0xa1: {  	s20 =	rddreg [dreg:$0x19];
	s19 =	simm.s32 $0xE528  }
0xa2: {  	[tilespmem:s19], [sflag:$0x9] =	stream.indirect.gather [spmem:s3], $0x80, s20, s15, $0xb8;
	[tilespmem:$0x10528] =	vst v63  }
0xa3: {  	_ =	swait.ge [sflag:s24], $0x2000  }
0xa4: {  	[sflag:s24] =	ssyncset.done $0x0  }
0xa5: {  	s20 =	rddreg [dreg:$0x1a];
	[sflag:s24] =	ssyncadd.s32 $0xFFFFE000  }
0xa6: {  	[hbm4b:s20+s4] =	stream.linear.scatter [tilespmem:s22], [sflag:$0xA], $0x2000, $0x38;
	[tilespmem:$0x10528] =	vst v63  }
0xa7: {  	_ =	swait.ge [sflag:s25], $0x2000  }
0xa8: {  	[sflag:s25] =	ssyncset.done $0x0  }
0xa9: {  	s20 =	rddreg [dreg:$0x9];
	[sflag:s25] =	ssyncadd.s32 $0xFFFFE000  }
0xaa: {  	[hbm4b:s20+s4] =	stream.linear.scatter [tilespmem:s23], [sflag:$0xB], $0x2000, $0x38;
	[tilespmem:$0x10528] =	vst v63  }
0xab: {  	_ =	swait.ge [sflag:s26], $0x2000  }
0xac: {  	[sflag:s26] =	ssyncset.done $0x0  }
0xad: {  	s20 =	rddreg [dreg:$0xa];
	[sflag:s26] =	ssyncadd.s32 $0xFFFFE000  }
0xae: {  	[hbm4b:s20+s4] =	stream.linear.scatter [tilespmem:s21], [sflag:$0xC], $0x2000, $0x38;
	[tilespmem:$0x10528] =	vst v63  }
0xaf: {  	_ =	swait.ge [sflag:s28], $0x2000  }
0xb0: {  	[sflag:s28] =	ssyncset.done $0x0  }
0xb1: {  	s20 =	rddreg [dreg:$0xb];
	[sflag:s28] =	ssyncadd.s32 $0xFFFFE000  }
0xb2: {  	[hbm4b:s20+s4] =	stream.linear.scatter [tilespmem:s7], [sflag:$0xD], $0x2000, $0x38;
	[tilespmem:$0x10528] =	vst v63  }
0xb3: {  	_ =	swait.ge [sflag:s29], $0x2000  }
0xb4: {  	[sflag:s29] =	ssyncset.done $0x0  }
0xb5: {  	s7 =	rddreg [dreg:$0xc];
	[sflag:s29] =	ssyncadd.s32 $0xFFFFE000  }
0xb6: {  	[hbm4b:s7+s4] =	stream.linear.scatter [tilespmem:s9], [sflag:$0xE], $0x2000, $0x38;
	[tilespmem:$0x10528] =	vst v63  }
0xb7: {  	_ =	swait.ge [sflag:s30], $0x2000  }
0xb8: {  	[sflag:s30] =	ssyncset.done $0x0  }
0xb9: {  	s20 =	rddreg [dreg:$0xd];
	[sflag:s30] =	ssyncadd.s32 $0xFFFFE000  }
0xba: {  	[hbm4b:s20+s4] =	stream.linear.scatter [tilespmem:s11], [sflag:$0xF], $0x2000, $0x38;
	[tilespmem:$0x10528] =	vst v63  }
0xbb: {  	_ =	swait.ge [sflag:s31], $0x2000  }
0xbc: {  	[sflag:s31] =	ssyncset.done $0x0  }
0xbd: {  	s7 =	rddreg [dreg:$0xe];
	[sflag:s31] =	ssyncadd.s32 $0xFFFFE000  }
0xbe: {  	[hbm4b:s7+s4] =	stream.linear.scatter [tilespmem:s13], [sflag:$0x10], $0x2000, $0x38;
	[tilespmem:$0x10528] =	vst v63  }
0xbf: {  	_ =	swait.ge [sflag:s1], $0x2000  }
0xc0: {  	[sflag:s1] =	ssyncset.done $0x0  }
0xc1: {  	s20 =	rddreg [dreg:$0xf];
	[sflag:s1] =	ssyncadd.s32 $0xFFFFE000  }
0xc2: {  	[hbm4b:s20+s4] =	stream.linear.scatter [tilespmem:s19], [sflag:$0x11], $0x2000, $0x38;
	[tilespmem:$0x10528] =	vst v63  }
0xc3: {  	_ =	swait.ge [sflag:s0], $0x2000  }
0xc4: {  	[sflag:s0] =	ssyncset.done $0x0  }
0xc5: {  	[sflag:s0] =	ssyncadd.s32 $0xFFFFE000  }
0xc6: {  	_ =	swait.ge [sflag:s2], $0x2000  }
0xc7: {  	[sflag:s2] =	ssyncset.done $0x0  }
0xc8: {  	[sflag:s2] =	ssyncadd.s32 $0xFFFFE000  }
0xc9: {  	_ =	swait.ge [sflag:s6], $0x2000  }
0xca: {  	[sflag:s6] =	ssyncset.done $0x0  }
0xcb: {  	[sflag:s6] =	ssyncadd.s32 $0xFFFFE000  }
0xcc: {  	_ =	swait.ge [sflag:s8], $0x2000  }
0xcd: {  	[sflag:s8] =	ssyncset.done $0x0  }
0xce: {  	[sflag:s8] =	ssyncadd.s32 $0xFFFFE000  }
0xcf: {  	_ =	swait.ge [sflag:s10], $0x2000  }
0xd0: {  	[sflag:s10] =	ssyncset.done $0x0  }
0xd1: {  	s16 =	sadd.s32 $0xFFFFFFFF, s16;
	[sflag:s10] =	ssyncadd.s32 $0xFFFFE000  }
0xd2: {  	p4 =	sne.s32 s16, $0x0;
	_ =	swait.ge [sflag:s12], $0x2000  }
.Ltmp1:
0xd3: {  	[sflag:s12] =	ssyncset.done $0x0;
	(pc) =	sbr.rel @p4 .LBB2_2-.Ltmp1, $4  }
0xd4: {  	[sflag:s12] =	ssyncadd.s32 $0xFFFFE000  }
0xd5: {  	_ =	swait.ge [sflag:s5], $0x2000  }
0xd6: {  	[sflag:s5] =	ssyncset.done $0x0  }
0xd7: {  	[sflag:s5] =	ssyncadd.s32 $0xFFFFE000  }
.LBB2_3:
0xd8: {  	_ =	swait.ge [sflag:s17], $0x2000  }
0xd9: {  	[sflag:s17] =	ssyncset.done $0x0  }
0xda: {  	[sflag:s17] =	ssyncadd.s32 $0xFFFFE000  }
0xdb: {  	_ =	sfence.sel $0x180000  }
0xdc: {  	[bflag:$0x0] =	sbarrier.arrive $0xFFFF  }
0xdd: {  	_ =	strace $0x90000047  }
0xde: {  	s0 =	stileid.u32;
	[bflag:$0x2] =	sbarrier.arrive $0xFFFF  }
0xdf: {  	p0 =	sne.s32 s0, $0x0;
	s0 =	rddreg [dreg:$0x4]  }
0xe0: {  	s0 =	sadd.s32 @!p0 $0x100000, s0  }
0xe1: {  	[sflag:s0] =	ssyncadd.tile.s32 @!p0 $0x1;
	_ =	shalt  }
.Lfunc_end2:
_tile_overlayer_lowered:
.L_overlay_start_2:
0xe2: {  	(tag) =	ssettag $0x2  }
0xe3: {  	s0 =	rddreg [dreg:$0x0];
	s2 =	stileid.u32  }
0xe4: {  	s1 =	rddreg [dreg:$0x1];
	p0 =	sne.s32 s2, $0x0  }
0xe5: {  	s3 =	rddreg [dreg:$0x2];
	[bflag:$0x3] =	sbarrier.arrive $0xFFFF;
	s2 =	simm.s32 @!p0 $0x1C12  }
0xe6: {  	[timem:s3], [sflag:s2] =	dma.local @!p0 [hbm:s0], s1  }
0xe7: {  	s0 =	simm.s32 @!p0 $0x12  }
0xe8: {  	_ =	swait.ge @!p0 [sflag:s0], s1  }
0xe9: {  	s1 =	ssub.s32 @!p0 $0x0, s1;
	[sflag:s0] =	ssyncset.done @!p0 $0x0  }
0xea: {  	[sflag:s0] =	ssyncadd.s32 @!p0 s1  }
0xeb: {  	[bflag:$0x3] =	sbarrier.arrive $0xFFFF  }
0xec: {  	_ =	shalt  }

</sc_bundles>
